<compile_context>
chip_gen: v7x
topology: tpu7x:2x2x1
jax: 0.10.2.dev20260603
libtpu: 0.0.44.dev20260713+nightly
codegen_flags: <defaults>
</compile_context>

<pallas_src>
import functools

import jax
import jax.numpy as jnp
from jax import lax
from jax.experimental import pallas as pl
from jax.experimental.pallas import tpu as pltpu
from jax.experimental.pallas import tpu_sc as plsc

_N = 10000
_E = 160000
_D = 256
_H = 128
_ONES = 32
_WIDE = _H + _ONES
_ACC_ROWS = 10240
_CHUNK = 128
_E_PAD = 163840
_EPT = _E_PAD // 16
_NCHUNK = _EPT // _CHUNK
_ROWS_PT = _ACC_ROWS // 16
_NBUF = 4

_mesh = plsc.VectorSubcoreMesh(core_axis_name="c", subcore_axis_name="s")


@functools.partial(
    pl.kernel,
    out_type=[
        jax.ShapeDtypeStruct((_ACC_ROWS, _WIDE), jnp.bfloat16),
        jax.ShapeDtypeStruct((_ACC_ROWS, _WIDE), jnp.bfloat16),
    ],
    mesh=_mesh,
    compiler_params=pltpu.CompilerParams(use_tc_tiling_on_sc=False),
    scratch_types=[
        pltpu.VMEM((_NCHUNK, _CHUNK), jnp.int32),
        pltpu.VMEM((_NCHUNK, _CHUNK), jnp.int32),
        [pltpu.VMEM((_CHUNK, _WIDE), jnp.bfloat16) for _ in range(_NBUF)],
        pltpu.VMEM_SHARED((_ACC_ROWS, _WIDE), jnp.bfloat16),
        [pltpu.SemaphoreType.DMA for _ in range(_NBUF)],
    ],
)
def _sc_aggregate(t0, t1, src, dst, out0, out1, srcb, dstb, rows, acc, sems):
    c = lax.axis_index("c")
    s = lax.axis_index("s")

    pltpu.sync_copy(src.at[s], srcb)
    pltpu.sync_copy(dst.at[s], dstb)

    def _zrow(r, carry):
        def _zcol(j, carry2):
            rows[0][pl.ds(r * 2, 2), pl.ds(j * 16, 16)] = (
                jnp.zeros((2, 16), jnp.bfloat16))
            return carry2
        return lax.fori_loop(0, _WIDE // 16, _zcol, carry)
    lax.fori_loop(0, _CHUNK // 2, _zrow, 0)

    rbase = s * _ROWS_PT
    for k in range(_ROWS_PT // _CHUNK):
        pltpu.sync_copy(rows[0], acc.at[pl.ds(rbase + k * _CHUNK, _CHUNK)])
    plsc.subcore_barrier()

    def _gather_start(m, b):
        @pl.when(c == 0)
        def _():
            pltpu.async_copy(t0.at[srcb.at[m]], rows[b], sems[b])

        @pl.when(c == 1)
        def _():
            pltpu.async_copy(t1.at[srcb.at[m]], rows[b], sems[b])

    def _gather_wait(b):
        pltpu.make_async_copy(t0.at[pl.ds(0, _CHUNK)], rows[b], sems[b]).wait()

    for m in range(_NBUF - 1):
        _gather_start(m, m % _NBUF)

    def _outer(g, carry):
        for i in range(_NBUF):
            m = g * _NBUF + i

            @pl.when(m + _NBUF - 1 < _NCHUNK)
            def _():
                _gather_start(m + _NBUF - 1, (i + _NBUF - 1) % _NBUF)

            _gather_wait(i)
            pltpu.sync_copy(rows[i], acc.at[dstb.at[m]], add=True)
        return carry

    lax.fori_loop(0, _NCHUNK // _NBUF, _outer, 0)
    plsc.subcore_barrier()

    for k in range(_ROWS_PT // _CHUNK):
        r0 = rbase + k * _CHUNK
        pltpu.sync_copy(acc.at[pl.ds(r0, _CHUNK)], rows[0])

        @pl.when(c == 0)
        def _():
            pltpu.sync_copy(rows[0], out0.at[pl.ds(r0, _CHUNK)])

        @pl.when(c == 1)
        def _():
            pltpu.sync_copy(rows[0], out1.at[pl.ds(r0, _CHUNK)])


def _dense_body(s0, s1, deg, feat, w1a, w1b, w2, bb, out):
    d = deg[...].astype(jnp.float32)
    scale = jnp.where(d > 0, 1.0 / jnp.maximum(d, 1.0), 0.0)
    dn = (((1,), (1,)), ((), ()))
    acc = lax.dot_general(s0[...].astype(jnp.float32) * scale, w1a[...], dn,
                          preferred_element_type=jnp.float32)
    acc = acc + lax.dot_general(s1[...].astype(jnp.float32) * scale, w1b[...],
                                dn, preferred_element_type=jnp.float32)
    acc = acc + lax.dot_general(feat[...], w2[...], dn,
                                preferred_element_type=jnp.float32)
    out[...] = jnp.maximum(acc + bb[...], 0.0)


_BLK = 1000


def _dense(s0, s1, deg, feat, w1a, w1b, w2, bb):
    return pl.pallas_call(
        _dense_body,
        grid=(_N // _BLK,),
        in_specs=[
            pl.BlockSpec((_BLK, _H), lambda i: (i, 0)),
            pl.BlockSpec((_BLK, _H), lambda i: (i, 0)),
            pl.BlockSpec((_BLK, 1), lambda i: (i, 0)),
            pl.BlockSpec((_BLK, _D), lambda i: (i, 0)),
            pl.BlockSpec((_D, _H), lambda i: (0, 0)),
            pl.BlockSpec((_D, _H), lambda i: (0, 0)),
            pl.BlockSpec((_D, _D), lambda i: (0, 0)),
            pl.BlockSpec((1, _D), lambda i: (0, 0)),
        ],
        out_specs=pl.BlockSpec((_BLK, _D), lambda i: (i, 0)),
        out_shape=jax.ShapeDtypeStruct((_N, _D), jnp.float32),
    )(s0, s1, deg, feat, w1a, w1b, w2, bb)


def kernel(feature, edge_index, W, b):
    src = edge_index[0]
    dst = edge_index[1]
    pad = _E_PAD - _E
    src_p = jnp.concatenate([src, jnp.zeros((pad,), jnp.int32)])
    dst_p = jnp.concatenate([dst, jnp.full((pad,), _N, jnp.int32)])
    src_p = src_p.reshape(16, _NCHUNK, _CHUNK)
    dst_p = dst_p.reshape(16, _NCHUNK, _CHUNK)
    ones = jnp.ones((_N, _ONES), jnp.float32)
    t0 = jnp.concatenate([feature[:, :_H], ones], axis=1).astype(jnp.bfloat16)
    t1 = jnp.concatenate([feature[:, _H:], ones], axis=1).astype(jnp.bfloat16)
    out0, out1 = _sc_aggregate(t0, t1, src_p, dst_p)
    s0 = out0[:_N, :_H]
    s1 = out1[:_N, :_H]
    deg = out0[:_N, _H:_H + 1]
    return _dense(s0, s1, deg, feature,
                  W[:, :_H], W[:, _H:_D], W[:, _D:], b.reshape(1, _D))

# --- scband reference (transcript-rebuilt; emitter-appended) ---
"""Pipeline reference for scband-gcnlayer-36575941492800 (READ-ONLY COPY).

The authoritative reference and input builder live on the scoring server;
editing this copy changes nothing except your own understanding.
"""

import jax, jax.numpy as jnp
import numpy as np

N_NODES = 10000
N_EDGES = 160000
D_FEAT = 256
OUT_FEATS = 256
IN_FEATS = 2 * D_FEAT  # cat(h_in, feature)


def setup_inputs(seed: int = 0) -> dict:
    key = jax.random.key(seed)
    k1, k2, k3, k4 = jax.random.split(key, 4)
    feature = jax.random.normal(k1, (N_NODES, D_FEAT), dtype=jnp.float32)
    edge_index = jax.random.randint(k2, (2, N_EDGES), 0, N_NODES, dtype=jnp.int32)
    # nn.Linear(in_feats, out_feats): W [out, in], b [out]
    W = jax.random.normal(k3, (OUT_FEATS, IN_FEATS), dtype=jnp.float32) * (1.0 / np.sqrt(IN_FEATS))
    b = jax.random.normal(k4, (OUT_FEATS,), dtype=jnp.float32) * (1.0 / np.sqrt(IN_FEATS))
    return {"feature": feature, "edge_index": edge_index, "W": W, "b": b}


def reference(feature, edge_index, W, b):
    # DGL update_all(copy_src, mean): h_in[v] = mean_{(u->v) in E} feature[u]
    src = edge_index[0]
    dst = edge_index[1]
    n = feature.shape[0]
    msg = jnp.take(feature, src, axis=0)                      # gather (SparseCore)
    summed = jax.ops.segment_sum(msg, dst, num_segments=n)    # scatter-add
    deg = jax.ops.segment_sum(jnp.ones((edge_index.shape[1],), feature.dtype), dst, num_segments=n)
    # DGL mean with zero in-degree yields 0
    h_in = jnp.where(deg[:, None] > 0, summed / jnp.maximum(deg, 1.0)[:, None], 0.0)
    x = jnp.concatenate([h_in, feature], axis=1)
    out = jax.nn.relu(x @ W.T + b)
    return out

if __name__ == "__main__":
    import jax
    _d = setup_inputs()
    print(jax.jit(kernel)(*tuple(_d.values())))

</pallas_src>

<mosaic_0001>
#map = affine_map<(d0, d1) -> (0, 0)>
#map1 = affine_map<(d0, d1) -> (0, 0, 0)>
module attributes {stable_mosaic.version = 14 : i64} {
  func.func @_sc_aggregate(%arg0: i32, %arg1: i32, %arg2: memref<10000x160xbf16, #tpu.memory_space<hbm>>, %arg3: memref<10000x160xbf16, #tpu.memory_space<hbm>>, %arg4: memref<16x80x128xi32, #tpu.memory_space<hbm>>, %arg5: memref<16x80x128xi32, #tpu.memory_space<hbm>>, %arg6: memref<10240x160xbf16, #tpu.memory_space<hbm>>, %arg7: memref<10240x160xbf16, #tpu.memory_space<hbm>>, %arg8: memref<80x128xi32, #tpu.memory_space<vmem>>, %arg9: memref<80x128xi32, #tpu.memory_space<vmem>>, %arg10: memref<128x160xbf16, #tpu.memory_space<vmem>>, %arg11: memref<128x160xbf16, #tpu.memory_space<vmem>>, %arg12: memref<128x160xbf16, #tpu.memory_space<vmem>>, %arg13: memref<128x160xbf16, #tpu.memory_space<vmem>>, %arg14: memref<10240x160xbf16, #tpu.memory_space<vmem_shared>>, %arg15: memref<!tpu.dma_semaphore, #tpu.memory_space<semaphore_mem>>, %arg16: memref<!tpu.dma_semaphore, #tpu.memory_space<semaphore_mem>>, %arg17: memref<!tpu.dma_semaphore, #tpu.memory_space<semaphore_mem>>, %arg18: memref<!tpu.dma_semaphore, #tpu.memory_space<semaphore_mem>>) attributes {dimension_semantics = [#tpu.dimension_semantics<core_parallel>, #tpu.dimension_semantics<subcore_parallel>], iteration_bounds = array<i64: 2, 16>, scalar_prefetch = 0 : i64, scratch_operands = 11 : i64, tpu.core_type = #tpu.core_type<sc_vector_subcore>, window_params = [{transform_indices = #map}, {transform_indices = #map}, {transform_indices = #map1}, {transform_indices = #map1}, {transform_indices = #map}, {transform_indices = #map}]} {
    "tpu.region"() ({
      %run_scoped3A = tpu.sem_alloc : memref<!tpu.dma_semaphore, #tpu.memory_space<semaphore_mem>>
      %dma_start3A = arith.constant 0 : i32
      %dma_start3A_109 = arith.constant 0 : i32
      %dma_start3A_110 = tpu.memref_slice %arg4[%arg1, %dma_start3A, %dma_start3A_109] : memref<16x80x128xi32, #tpu.memory_space<hbm>> -> memref<1x80x128xi32, #tpu.memory_space<hbm>>
      %dma_start3A_111 = tpu.memref_squeeze %dma_start3A_110 : memref<1x80x128xi32, #tpu.memory_space<hbm>> -> memref<80x128xi32, #tpu.memory_space<hbm>>
      %dma_start3A_112 = arith.constant 0 : i32
      %dma_start3A_113 = arith.constant 0 : i32
      %dma_start3A_114 = tpu.memref_slice %arg4[%arg1, %dma_start3A_112, %dma_start3A_113] : memref<16x80x128xi32, #tpu.memory_space<hbm>> -> memref<1x80x128xi32, #tpu.memory_space<hbm>>
      %dma_start3A_115 = tpu.memref_squeeze %dma_start3A_114 : memref<1x80x128xi32, #tpu.memory_space<hbm>> -> memref<80x128xi32, #tpu.memory_space<hbm>>
      tpu.enqueue_dma source(%dma_start3A_115 : memref<80x128xi32, #tpu.memory_space<hbm>>) target(%arg8 : memref<80x128xi32, #tpu.memory_space<vmem>>) target_semaphore(%run_scoped3A : memref<!tpu.dma_semaphore, #tpu.memory_space<semaphore_mem>>)
      %dma_wait3A = arith.constant 0 : i32
      %dma_wait3A_116 = arith.constant 0 : i32
      %dma_wait3A_117 = tpu.memref_slice %arg4[%arg1, %dma_wait3A, %dma_wait3A_116] : memref<16x80x128xi32, #tpu.memory_space<hbm>> -> memref<1x80x128xi32, #tpu.memory_space<hbm>>
      %dma_wait3A_118 = tpu.memref_squeeze %dma_wait3A_117 : memref<1x80x128xi32, #tpu.memory_space<hbm>> -> memref<80x128xi32, #tpu.memory_space<hbm>>
      %dma_wait3A_119 = arith.constant 0 : i32
      %dma_wait3A_120 = arith.constant 0 : i32
      %dma_wait3A_121 = tpu.memref_slice %arg4[%arg1, %dma_wait3A_119, %dma_wait3A_120] : memref<16x80x128xi32, #tpu.memory_space<hbm>> -> memref<1x80x128xi32, #tpu.memory_space<hbm>>
      %dma_wait3A_122 = tpu.memref_squeeze %dma_wait3A_121 : memref<1x80x128xi32, #tpu.memory_space<hbm>> -> memref<80x128xi32, #tpu.memory_space<hbm>>
      tpu.wait_dma2 semaphore(%run_scoped3A : memref<!tpu.dma_semaphore, #tpu.memory_space<semaphore_mem>>) src(%dma_wait3A_122 : memref<80x128xi32, #tpu.memory_space<hbm>>) dst(%arg8 : memref<80x128xi32, #tpu.memory_space<vmem>>)
      tpu.yield
    }) : () -> ()
    "tpu.region"() ({
      %run_scoped3A = tpu.sem_alloc : memref<!tpu.dma_semaphore, #tpu.memory_space<semaphore_mem>>
      %dma_start3A = arith.constant 0 : i32
      %dma_start3A_109 = arith.constant 0 : i32
      %dma_start3A_110 = tpu.memref_slice %arg5[%arg1, %dma_start3A, %dma_start3A_109] : memref<16x80x128xi32, #tpu.memory_space<hbm>> -> memref<1x80x128xi32, #tpu.memory_space<hbm>>
      %dma_start3A_111 = tpu.memref_squeeze %dma_start3A_110 : memref<1x80x128xi32, #tpu.memory_space<hbm>> -> memref<80x128xi32, #tpu.memory_space<hbm>>
      %dma_start3A_112 = arith.constant 0 : i32
      %dma_start3A_113 = arith.constant 0 : i32
      %dma_start3A_114 = tpu.memref_slice %arg5[%arg1, %dma_start3A_112, %dma_start3A_113] : memref<16x80x128xi32, #tpu.memory_space<hbm>> -> memref<1x80x128xi32, #tpu.memory_space<hbm>>
      %dma_start3A_115 = tpu.memref_squeeze %dma_start3A_114 : memref<1x80x128xi32, #tpu.memory_space<hbm>> -> memref<80x128xi32, #tpu.memory_space<hbm>>
      tpu.enqueue_dma source(%dma_start3A_115 : memref<80x128xi32, #tpu.memory_space<hbm>>) target(%arg9 : memref<80x128xi32, #tpu.memory_space<vmem>>) target_semaphore(%run_scoped3A : memref<!tpu.dma_semaphore, #tpu.memory_space<semaphore_mem>>)
      %dma_wait3A = arith.constant 0 : i32
      %dma_wait3A_116 = arith.constant 0 : i32
      %dma_wait3A_117 = tpu.memref_slice %arg5[%arg1, %dma_wait3A, %dma_wait3A_116] : memref<16x80x128xi32, #tpu.memory_space<hbm>> -> memref<1x80x128xi32, #tpu.memory_space<hbm>>
      %dma_wait3A_118 = tpu.memref_squeeze %dma_wait3A_117 : memref<1x80x128xi32, #tpu.memory_space<hbm>> -> memref<80x128xi32, #tpu.memory_space<hbm>>
      %dma_wait3A_119 = arith.constant 0 : i32
      %dma_wait3A_120 = arith.constant 0 : i32
      %dma_wait3A_121 = tpu.memref_slice %arg5[%arg1, %dma_wait3A_119, %dma_wait3A_120] : memref<16x80x128xi32, #tpu.memory_space<hbm>> -> memref<1x80x128xi32, #tpu.memory_space<hbm>>
      %dma_wait3A_122 = tpu.memref_squeeze %dma_wait3A_121 : memref<1x80x128xi32, #tpu.memory_space<hbm>> -> memref<80x128xi32, #tpu.memory_space<hbm>>
      tpu.wait_dma2 semaphore(%run_scoped3A : memref<!tpu.dma_semaphore, #tpu.memory_space<semaphore_mem>>) src(%dma_wait3A_122 : memref<80x128xi32, #tpu.memory_space<hbm>>) dst(%arg9 : memref<80x128xi32, #tpu.memory_space<vmem>>)
      tpu.yield
    }) : () -> ()
    %scan3A = arith.constant 0 : i32
    %scan3A_0 = arith.constant 0 : i32
    %scan3A_1 = arith.constant 64 : i32
    %scan3A_2 = arith.addi %scan3A_0, %scan3A_1 : i32
    %scan3A_3 = arith.constant 1 : i32
    scf.for %scan3A_109 = %scan3A_0 to %scan3A_2 step %scan3A_3  : i32 {
      %scan3A_110 = arith.constant 0 : i32
      %scan3A_111 = arith.constant 10 : i32
      %scan3A_112 = arith.addi %scan3A_110, %scan3A_111 : i32
      %scan3A_113 = arith.constant 1 : i32
      scf.for %scan3A_115 = %scan3A_110 to %scan3A_112 step %scan3A_113  : i32 {
        %broadcast_in_dim3A = arith.constant 0.000000e+00 : bf16
        %broadcast_in_dim3A_116 = vector.broadcast %broadcast_in_dim3A : bf16 to vector<2x16xbf16>
        %mul3A_117 = arith.constant 2 : i32
        %mul3A_118 = arith.muli %scan3A_109, %mul3A_117 : i32
        %mul3A_119 = arith.constant 16 : i32
        %mul3A_120 = arith.muli %scan3A_115, %mul3A_119 : i32
        %swap3A = arith.index_cast %mul3A_118 : i32 to index
        %swap3A_121 = arith.index_cast %mul3A_120 : i32 to index
        %swap3A_122 = tpu.vector_load %arg10[%swap3A, %swap3A_121] {strides = array<i32>} : memref<128x160xbf16, #tpu.memory_space<vmem>>, vector<2x16xbf16>,
        %swap3A_123 = vector.shape_cast %swap3A_122 : vector<2x16xbf16> to vector<2x16xbf16>
        %swap3A_124 = vector.shape_cast %broadcast_in_dim3A_116 : vector<2x16xbf16> to vector<2x16xbf16>
        tpu.vector_store %arg10[%swap3A, %swap3A_121], %swap3A_124 {strides = array<i32>} : memref<128x160xbf16, #tpu.memory_space<vmem>>, vector<2x16xbf16>,
      }
      %scan3A_114 = arith.constant 10 : i32
    }
    %scan3A_4 = arith.constant 64 : i32
    %mul3A = arith.constant 640 : i32
    %mul3A_5 = arith.muli %arg1, %mul3A : i32
    %add3A = arith.constant 0 : i32
    %add3A_6 = arith.addi %mul3A_5, %add3A : i32
    "tpu.region"() ({
      %run_scoped3A = tpu.sem_alloc : memref<!tpu.dma_semaphore, #tpu.memory_space<semaphore_mem>>
      %dma_start3A = arith.constant 0 : i32
      %dma_start3A_109 = tpu.memref_slice %arg14[%add3A_6, %dma_start3A] : memref<10240x160xbf16, #tpu.memory_space<vmem_shared>> -> memref<128x160xbf16, #tpu.memory_space<vmem_shared>>
      %dma_start3A_110 = arith.constant 0 : i32
      %dma_start3A_111 = tpu.memref_slice %arg14[%add3A_6, %dma_start3A_110] : memref<10240x160xbf16, #tpu.memory_space<vmem_shared>> -> memref<128x160xbf16, #tpu.memory_space<vmem_shared>>
      tpu.enqueue_dma source(%arg10 : memref<128x160xbf16, #tpu.memory_space<vmem>>) target(%dma_start3A_111 : memref<128x160xbf16, #tpu.memory_space<vmem_shared>>) target_semaphore(%run_scoped3A : memref<!tpu.dma_semaphore, #tpu.memory_space<semaphore_mem>>)
      %dma_wait3A = arith.constant 0 : i32
      %dma_wait3A_112 = tpu.memref_slice %arg14[%add3A_6, %dma_wait3A] : memref<10240x160xbf16, #tpu.memory_space<vmem_shared>> -> memref<128x160xbf16, #tpu.memory_space<vmem_shared>>
      %dma_wait3A_113 = arith.constant 0 : i32
      %dma_wait3A_114 = tpu.memref_slice %arg14[%add3A_6, %dma_wait3A_113] : memref<10240x160xbf16, #tpu.memory_space<vmem_shared>> -> memref<128x160xbf16, #tpu.memory_space<vmem_shared>>
      tpu.wait_dma2 semaphore(%run_scoped3A : memref<!tpu.dma_semaphore, #tpu.memory_space<semaphore_mem>>) src(%arg10 : memref<128x160xbf16, #tpu.memory_space<vmem>>) dst(%dma_wait3A_114 : memref<128x160xbf16, #tpu.memory_space<vmem_shared>>)
      tpu.yield
    }) : () -> ()
    %add3A_7 = arith.constant 128 : i32
    %add3A_8 = arith.addi %mul3A_5, %add3A_7 : i32
    "tpu.region"() ({
      %run_scoped3A = tpu.sem_alloc : memref<!tpu.dma_semaphore, #tpu.memory_space<semaphore_mem>>
      %dma_start3A = arith.constant 0 : i32
      %dma_start3A_109 = tpu.memref_slice %arg14[%add3A_8, %dma_start3A] : memref<10240x160xbf16, #tpu.memory_space<vmem_shared>> -> memref<128x160xbf16, #tpu.memory_space<vmem_shared>>
      %dma_start3A_110 = arith.constant 0 : i32
      %dma_start3A_111 = tpu.memref_slice %arg14[%add3A_8, %dma_start3A_110] : memref<10240x160xbf16, #tpu.memory_space<vmem_shared>> -> memref<128x160xbf16, #tpu.memory_space<vmem_shared>>
      tpu.enqueue_dma source(%arg10 : memref<128x160xbf16, #tpu.memory_space<vmem>>) target(%dma_start3A_111 : memref<128x160xbf16, #tpu.memory_space<vmem_shared>>) target_semaphore(%run_scoped3A : memref<!tpu.dma_semaphore, #tpu.memory_space<semaphore_mem>>)
      %dma_wait3A = arith.constant 0 : i32
      %dma_wait3A_112 = tpu.memref_slice %arg14[%add3A_8, %dma_wait3A] : memref<10240x160xbf16, #tpu.memory_space<vmem_shared>> -> memref<128x160xbf16, #tpu.memory_space<vmem_shared>>
      %dma_wait3A_113 = arith.constant 0 : i32
      %dma_wait3A_114 = tpu.memref_slice %arg14[%add3A_8, %dma_wait3A_113] : memref<10240x160xbf16, #tpu.memory_space<vmem_shared>> -> memref<128x160xbf16, #tpu.memory_space<vmem_shared>>
      tpu.wait_dma2 semaphore(%run_scoped3A : memref<!tpu.dma_semaphore, #tpu.memory_space<semaphore_mem>>) src(%arg10 : memref<128x160xbf16, #tpu.memory_space<vmem>>) dst(%dma_wait3A_114 : memref<128x160xbf16, #tpu.memory_space<vmem_shared>>)
      tpu.yield
    }) : () -> ()
    %add3A_9 = arith.constant 256 : i32
    %add3A_10 = arith.addi %mul3A_5, %add3A_9 : i32
    "tpu.region"() ({
      %run_scoped3A = tpu.sem_alloc : memref<!tpu.dma_semaphore, #tpu.memory_space<semaphore_mem>>
      %dma_start3A = arith.constant 0 : i32
      %dma_start3A_109 = tpu.memref_slice %arg14[%add3A_10, %dma_start3A] : memref<10240x160xbf16, #tpu.memory_space<vmem_shared>> -> memref<128x160xbf16, #tpu.memory_space<vmem_shared>>
      %dma_start3A_110 = arith.constant 0 : i32
      %dma_start3A_111 = tpu.memref_slice %arg14[%add3A_10, %dma_start3A_110] : memref<10240x160xbf16, #tpu.memory_space<vmem_shared>> -> memref<128x160xbf16, #tpu.memory_space<vmem_shared>>
      tpu.enqueue_dma source(%arg10 : memref<128x160xbf16, #tpu.memory_space<vmem>>) target(%dma_start3A_111 : memref<128x160xbf16, #tpu.memory_space<vmem_shared>>) target_semaphore(%run_scoped3A : memref<!tpu.dma_semaphore, #tpu.memory_space<semaphore_mem>>)
      %dma_wait3A = arith.constant 0 : i32
      %dma_wait3A_112 = tpu.memref_slice %arg14[%add3A_10, %dma_wait3A] : memref<10240x160xbf16, #tpu.memory_space<vmem_shared>> -> memref<128x160xbf16, #tpu.memory_space<vmem_shared>>
      %dma_wait3A_113 = arith.constant 0 : i32
      %dma_wait3A_114 = tpu.memref_slice %arg14[%add3A_10, %dma_wait3A_113] : memref<10240x160xbf16, #tpu.memory_space<vmem_shared>> -> memref<128x160xbf16, #tpu.memory_space<vmem_shared>>
      tpu.wait_dma2 semaphore(%run_scoped3A : memref<!tpu.dma_semaphore, #tpu.memory_space<semaphore_mem>>) src(%arg10 : memref<128x160xbf16, #tpu.memory_space<vmem>>) dst(%dma_wait3A_114 : memref<128x160xbf16, #tpu.memory_space<vmem_shared>>)
      tpu.yield
    }) : () -> ()
    %add3A_11 = arith.constant 384 : i32
    %add3A_12 = arith.addi %mul3A_5, %add3A_11 : i32
    "tpu.region"() ({
      %run_scoped3A = tpu.sem_alloc : memref<!tpu.dma_semaphore, #tpu.memory_space<semaphore_mem>>
      %dma_start3A = arith.constant 0 : i32
      %dma_start3A_109 = tpu.memref_slice %arg14[%add3A_12, %dma_start3A] : memref<10240x160xbf16, #tpu.memory_space<vmem_shared>> -> memref<128x160xbf16, #tpu.memory_space<vmem_shared>>
      %dma_start3A_110 = arith.constant 0 : i32
      %dma_start3A_111 = tpu.memref_slice %arg14[%add3A_12, %dma_start3A_110] : memref<10240x160xbf16, #tpu.memory_space<vmem_shared>> -> memref<128x160xbf16, #tpu.memory_space<vmem_shared>>
      tpu.enqueue_dma source(%arg10 : memref<128x160xbf16, #tpu.memory_space<vmem>>) target(%dma_start3A_111 : memref<128x160xbf16, #tpu.memory_space<vmem_shared>>) target_semaphore(%run_scoped3A : memref<!tpu.dma_semaphore, #tpu.memory_space<semaphore_mem>>)
      %dma_wait3A = arith.constant 0 : i32
      %dma_wait3A_112 = tpu.memref_slice %arg14[%add3A_12, %dma_wait3A] : memref<10240x160xbf16, #tpu.memory_space<vmem_shared>> -> memref<128x160xbf16, #tpu.memory_space<vmem_shared>>
      %dma_wait3A_113 = arith.constant 0 : i32
      %dma_wait3A_114 = tpu.memref_slice %arg14[%add3A_12, %dma_wait3A_113] : memref<10240x160xbf16, #tpu.memory_space<vmem_shared>> -> memref<128x160xbf16, #tpu.memory_space<vmem_shared>>
      tpu.wait_dma2 semaphore(%run_scoped3A : memref<!tpu.dma_semaphore, #tpu.memory_space<semaphore_mem>>) src(%arg10 : memref<128x160xbf16, #tpu.memory_space<vmem>>) dst(%dma_wait3A_114 : memref<128x160xbf16, #tpu.memory_space<vmem_shared>>)
      tpu.yield
    }) : () -> ()
    %add3A_13 = arith.constant 512 : i32
    %add3A_14 = arith.addi %mul3A_5, %add3A_13 : i32
    "tpu.region"() ({
      %run_scoped3A = tpu.sem_alloc : memref<!tpu.dma_semaphore, #tpu.memory_space<semaphore_mem>>
      %dma_start3A = arith.constant 0 : i32
      %dma_start3A_109 = tpu.memref_slice %arg14[%add3A_14, %dma_start3A] : memref<10240x160xbf16, #tpu.memory_space<vmem_shared>> -> memref<128x160xbf16, #tpu.memory_space<vmem_shared>>
      %dma_start3A_110 = arith.constant 0 : i32
      %dma_start3A_111 = tpu.memref_slice %arg14[%add3A_14, %dma_start3A_110] : memref<10240x160xbf16, #tpu.memory_space<vmem_shared>> -> memref<128x160xbf16, #tpu.memory_space<vmem_shared>>
      tpu.enqueue_dma source(%arg10 : memref<128x160xbf16, #tpu.memory_space<vmem>>) target(%dma_start3A_111 : memref<128x160xbf16, #tpu.memory_space<vmem_shared>>) target_semaphore(%run_scoped3A : memref<!tpu.dma_semaphore, #tpu.memory_space<semaphore_mem>>)
      %dma_wait3A = arith.constant 0 : i32
      %dma_wait3A_112 = tpu.memref_slice %arg14[%add3A_14, %dma_wait3A] : memref<10240x160xbf16, #tpu.memory_space<vmem_shared>> -> memref<128x160xbf16, #tpu.memory_space<vmem_shared>>
      %dma_wait3A_113 = arith.constant 0 : i32
      %dma_wait3A_114 = tpu.memref_slice %arg14[%add3A_14, %dma_wait3A_113] : memref<10240x160xbf16, #tpu.memory_space<vmem_shared>> -> memref<128x160xbf16, #tpu.memory_space<vmem_shared>>
      tpu.wait_dma2 semaphore(%run_scoped3A : memref<!tpu.dma_semaphore, #tpu.memory_space<semaphore_mem>>) src(%arg10 : memref<128x160xbf16, #tpu.memory_space<vmem>>) dst(%dma_wait3A_114 : memref<128x160xbf16, #tpu.memory_space<vmem_shared>>)
      tpu.yield
    }) : () -> ()
    %barrier3A = arith.constant 0 : index
    tpu.barrier barrier_id(%barrier3A)
    %eq3A = arith.constant 0 : i32
    %eq3A_15 = arith.cmpi eq, %arg0, %eq3A : i32
    %convert_element_type3A = arith.extui %eq3A_15 : i1 to i32
    %cond3A = arith.constant 0 : i32
    %cond3A_16 = arith.cmpi ne, %convert_element_type3A, %cond3A : i32
    scf.if %cond3A_16 {
      %dma_start3A = arith.constant 0 : i32
      %dma_start3A_109 = arith.constant 0 : i32
      %dma_start3A_110 = tpu.memref_slice %arg8[%dma_start3A, %dma_start3A_109] : memref<80x128xi32, #tpu.memory_space<vmem>> -> memref<1x128xi32, #tpu.memory_space<vmem>>
      %dma_start3A_111 = tpu.memref_squeeze %dma_start3A_110 : memref<1x128xi32, #tpu.memory_space<vmem>> -> memref<128xi32, #tpu.memory_space<vmem>>
      %dma_start3A_112 = arith.constant 0 : i32
      %dma_start3A_113 = arith.constant 0 : i32
      %dma_start3A_114 = tpu.memref_slice %arg2[%dma_start3A_112, %dma_start3A_113] : memref<10000x160xbf16, #tpu.memory_space<hbm>> -> memref<10000x160xbf16, #tpu.memory_space<hbm>>
      tpu.enqueue_indirect_dma source(%dma_start3A_114 : memref<10000x160xbf16, #tpu.memory_space<hbm>>) target(%arg10 : memref<128x160xbf16, #tpu.memory_space<vmem>>) offsets(%dma_start3A_111 : memref<128xi32, #tpu.memory_space<vmem>>) semaphore(%arg15 : memref<!tpu.dma_semaphore, #tpu.memory_space<semaphore_mem>>)
    } else {
    }
    %eq3A_17 = arith.constant 1 : i32
    %eq3A_18 = arith.cmpi eq, %arg0, %eq3A_17 : i32
    %convert_element_type3A_19 = arith.extui %eq3A_18 : i1 to i32
    %cond3A_20 = arith.constant 0 : i32
    %cond3A_21 = arith.cmpi ne, %convert_element_type3A_19, %cond3A_20 : i32
    scf.if %cond3A_21 {
      %dma_start3A = arith.constant 0 : i32
      %dma_start3A_109 = arith.constant 0 : i32
      %dma_start3A_110 = tpu.memref_slice %arg8[%dma_start3A, %dma_start3A_109] : memref<80x128xi32, #tpu.memory_space<vmem>> -> memref<1x128xi32, #tpu.memory_space<vmem>>
      %dma_start3A_111 = tpu.memref_squeeze %dma_start3A_110 : memref<1x128xi32, #tpu.memory_space<vmem>> -> memref<128xi32, #tpu.memory_space<vmem>>
      %dma_start3A_112 = arith.constant 0 : i32
      %dma_start3A_113 = arith.constant 0 : i32
      %dma_start3A_114 = tpu.memref_slice %arg3[%dma_start3A_112, %dma_start3A_113] : memref<10000x160xbf16, #tpu.memory_space<hbm>> -> memref<10000x160xbf16, #tpu.memory_space<hbm>>
      tpu.enqueue_indirect_dma source(%dma_start3A_114 : memref<10000x160xbf16, #tpu.memory_space<hbm>>) target(%arg10 : memref<128x160xbf16, #tpu.memory_space<vmem>>) offsets(%dma_start3A_111 : memref<128xi32, #tpu.memory_space<vmem>>) semaphore(%arg15 : memref<!tpu.dma_semaphore, #tpu.memory_space<semaphore_mem>>)
    } else {
    }
    %eq3A_22 = arith.constant 0 : i32
    %eq3A_23 = arith.cmpi eq, %arg0, %eq3A_22 : i32
    %convert_element_type3A_24 = arith.extui %eq3A_23 : i1 to i32
    %cond3A_25 = arith.constant 0 : i32
    %cond3A_26 = arith.cmpi ne, %convert_element_type3A_24, %cond3A_25 : i32
    scf.if %cond3A_26 {
      %dma_start3A = arith.constant 1 : i32
      %dma_start3A_109 = arith.constant 0 : i32
      %dma_start3A_110 = tpu.memref_slice %arg8[%dma_start3A, %dma_start3A_109] : memref<80x128xi32, #tpu.memory_space<vmem>> -> memref<1x128xi32, #tpu.memory_space<vmem>>
      %dma_start3A_111 = tpu.memref_squeeze %dma_start3A_110 : memref<1x128xi32, #tpu.memory_space<vmem>> -> memref<128xi32, #tpu.memory_space<vmem>>
      %dma_start3A_112 = arith.constant 0 : i32
      %dma_start3A_113 = arith.constant 0 : i32
      %dma_start3A_114 = tpu.memref_slice %arg2[%dma_start3A_112, %dma_start3A_113] : memref<10000x160xbf16, #tpu.memory_space<hbm>> -> memref<10000x160xbf16, #tpu.memory_space<hbm>>
      tpu.enqueue_indirect_dma source(%dma_start3A_114 : memref<10000x160xbf16, #tpu.memory_space<hbm>>) target(%arg11 : memref<128x160xbf16, #tpu.memory_space<vmem>>) offsets(%dma_start3A_111 : memref<128xi32, #tpu.memory_space<vmem>>) semaphore(%arg16 : memref<!tpu.dma_semaphore, #tpu.memory_space<semaphore_mem>>)
    } else {
    }
    %eq3A_27 = arith.constant 1 : i32
    %eq3A_28 = arith.cmpi eq, %arg0, %eq3A_27 : i32
    %convert_element_type3A_29 = arith.extui %eq3A_28 : i1 to i32
    %cond3A_30 = arith.constant 0 : i32
    %cond3A_31 = arith.cmpi ne, %convert_element_type3A_29, %cond3A_30 : i32
    scf.if %cond3A_31 {
      %dma_start3A = arith.constant 1 : i32
      %dma_start3A_109 = arith.constant 0 : i32
      %dma_start3A_110 = tpu.memref_slice %arg8[%dma_start3A, %dma_start3A_109] : memref<80x128xi32, #tpu.memory_space<vmem>> -> memref<1x128xi32, #tpu.memory_space<vmem>>
      %dma_start3A_111 = tpu.memref_squeeze %dma_start3A_110 : memref<1x128xi32, #tpu.memory_space<vmem>> -> memref<128xi32, #tpu.memory_space<vmem>>
      %dma_start3A_112 = arith.constant 0 : i32
      %dma_start3A_113 = arith.constant 0 : i32
      %dma_start3A_114 = tpu.memref_slice %arg3[%dma_start3A_112, %dma_start3A_113] : memref<10000x160xbf16, #tpu.memory_space<hbm>> -> memref<10000x160xbf16, #tpu.memory_space<hbm>>
      tpu.enqueue_indirect_dma source(%dma_start3A_114 : memref<10000x160xbf16, #tpu.memory_space<hbm>>) target(%arg11 : memref<128x160xbf16, #tpu.memory_space<vmem>>) offsets(%dma_start3A_111 : memref<128xi32, #tpu.memory_space<vmem>>) semaphore(%arg16 : memref<!tpu.dma_semaphore, #tpu.memory_space<semaphore_mem>>)
    } else {
    }
    %eq3A_32 = arith.constant 0 : i32
    %eq3A_33 = arith.cmpi eq, %arg0, %eq3A_32 : i32
    %convert_element_type3A_34 = arith.extui %eq3A_33 : i1 to i32
    %cond3A_35 = arith.constant 0 : i32
    %cond3A_36 = arith.cmpi ne, %convert_element_type3A_34, %cond3A_35 : i32
    scf.if %cond3A_36 {
      %dma_start3A = arith.constant 2 : i32
      %dma_start3A_109 = arith.constant 0 : i32
      %dma_start3A_110 = tpu.memref_slice %arg8[%dma_start3A, %dma_start3A_109] : memref<80x128xi32, #tpu.memory_space<vmem>> -> memref<1x128xi32, #tpu.memory_space<vmem>>
      %dma_start3A_111 = tpu.memref_squeeze %dma_start3A_110 : memref<1x128xi32, #tpu.memory_space<vmem>> -> memref<128xi32, #tpu.memory_space<vmem>>
      %dma_start3A_112 = arith.constant 0 : i32
      %dma_start3A_113 = arith.constant 0 : i32
      %dma_start3A_114 = tpu.memref_slice %arg2[%dma_start3A_112, %dma_start3A_113] : memref<10000x160xbf16, #tpu.memory_space<hbm>> -> memref<10000x160xbf16, #tpu.memory_space<hbm>>
      tpu.enqueue_indirect_dma source(%dma_start3A_114 : memref<10000x160xbf16, #tpu.memory_space<hbm>>) target(%arg12 : memref<128x160xbf16, #tpu.memory_space<vmem>>) offsets(%dma_start3A_111 : memref<128xi32, #tpu.memory_space<vmem>>) semaphore(%arg17 : memref<!tpu.dma_semaphore, #tpu.memory_space<semaphore_mem>>)
    } else {
    }
    %eq3A_37 = arith.constant 1 : i32
    %eq3A_38 = arith.cmpi eq, %arg0, %eq3A_37 : i32
    %convert_element_type3A_39 = arith.extui %eq3A_38 : i1 to i32
    %cond3A_40 = arith.constant 0 : i32
    %cond3A_41 = arith.cmpi ne, %convert_element_type3A_39, %cond3A_40 : i32
    scf.if %cond3A_41 {
      %dma_start3A = arith.constant 2 : i32
      %dma_start3A_109 = arith.constant 0 : i32
      %dma_start3A_110 = tpu.memref_slice %arg8[%dma_start3A, %dma_start3A_109] : memref<80x128xi32, #tpu.memory_space<vmem>> -> memref<1x128xi32, #tpu.memory_space<vmem>>
      %dma_start3A_111 = tpu.memref_squeeze %dma_start3A_110 : memref<1x128xi32, #tpu.memory_space<vmem>> -> memref<128xi32, #tpu.memory_space<vmem>>
      %dma_start3A_112 = arith.constant 0 : i32
      %dma_start3A_113 = arith.constant 0 : i32
      %dma_start3A_114 = tpu.memref_slice %arg3[%dma_start3A_112, %dma_start3A_113] : memref<10000x160xbf16, #tpu.memory_space<hbm>> -> memref<10000x160xbf16, #tpu.memory_space<hbm>>
      tpu.enqueue_indirect_dma source(%dma_start3A_114 : memref<10000x160xbf16, #tpu.memory_space<hbm>>) target(%arg12 : memref<128x160xbf16, #tpu.memory_space<vmem>>) offsets(%dma_start3A_111 : memref<128xi32, #tpu.memory_space<vmem>>) semaphore(%arg17 : memref<!tpu.dma_semaphore, #tpu.memory_space<semaphore_mem>>)
    } else {
    }
    %scan3A_42 = arith.constant 0 : i32
    %scan3A_43 = arith.constant 0 : i32
    %scan3A_44 = arith.constant 20 : i32
    %scan3A_45 = arith.addi %scan3A_43, %scan3A_44 : i32
    %scan3A_46 = arith.constant 1 : i32
    scf.for %scan3A_109 = %scan3A_43 to %scan3A_45 step %scan3A_46  : i32 {
      %mul3A_110 = arith.constant 4 : i32
      %mul3A_111 = arith.muli %scan3A_109, %mul3A_110 : i32
      %add3A_112 = arith.constant 0 : i32
      %add3A_113 = arith.addi %mul3A_111, %add3A_112 : i32
      %add3A_114 = arith.constant 4 : i32
      %add3A_115 = arith.addi %add3A_113, %add3A_114 : i32
      %sub3A = arith.constant 1 : i32
      %sub3A_116 = arith.subi %add3A_115, %sub3A : i32
      %lt3A = arith.constant 80 : i32
      %lt3A_117 = arith.cmpi slt, %sub3A_116, %lt3A : i32
      %convert_element_type3A_118 = arith.extui %lt3A_117 : i1 to i32
      %cond3A_119 = arith.constant 0 : i32
      %cond3A_120 = arith.cmpi ne, %convert_element_type3A_118, %cond3A_119 : i32
      scf.if %cond3A_120 {
        %add3A_183 = arith.constant 4 : i32
        %add3A_184 = arith.addi %add3A_113, %add3A_183 : i32
        %sub3A_185 = arith.constant 1 : i32
        %sub3A_186 = arith.subi %add3A_184, %sub3A_185 : i32
        %eq3A_187 = arith.constant 0 : i32
        %eq3A_188 = arith.cmpi eq, %arg0, %eq3A_187 : i32
        %convert_element_type3A_189 = arith.extui %eq3A_188 : i1 to i32
        %cond3A_190 = arith.constant 0 : i32
        %cond3A_191 = arith.cmpi ne, %convert_element_type3A_189, %cond3A_190 : i32
        scf.if %cond3A_191 {
          %dma_start3A = arith.constant 0 : i32
          %dma_start3A_197 = tpu.memref_slice %arg8[%sub3A_186, %dma_start3A] : memref<80x128xi32, #tpu.memory_space<vmem>> -> memref<1x128xi32, #tpu.memory_space<vmem>>
          %dma_start3A_198 = tpu.memref_squeeze %dma_start3A_197 : memref<1x128xi32, #tpu.memory_space<vmem>> -> memref<128xi32, #tpu.memory_space<vmem>>
          %dma_start3A_199 = arith.constant 0 : i32
          %dma_start3A_200 = arith.constant 0 : i32
          %dma_start3A_201 = tpu.memref_slice %arg2[%dma_start3A_199, %dma_start3A_200] : memref<10000x160xbf16, #tpu.memory_space<hbm>> -> memref<10000x160xbf16, #tpu.memory_space<hbm>>
          tpu.enqueue_indirect_dma source(%dma_start3A_201 : memref<10000x160xbf16, #tpu.memory_space<hbm>>) target(%arg13 : memref<128x160xbf16, #tpu.memory_space<vmem>>) offsets(%dma_start3A_198 : memref<128xi32, #tpu.memory_space<vmem>>) semaphore(%arg18 : memref<!tpu.dma_semaphore, #tpu.memory_space<semaphore_mem>>)
        } else {
        }
        %eq3A_192 = arith.constant 1 : i32
        %eq3A_193 = arith.cmpi eq, %arg0, %eq3A_192 : i32
        %convert_element_type3A_194 = arith.extui %eq3A_193 : i1 to i32
        %cond3A_195 = arith.constant 0 : i32
        %cond3A_196 = arith.cmpi ne, %convert_element_type3A_194, %cond3A_195 : i32
        scf.if %cond3A_196 {
          %dma_start3A = arith.constant 0 : i32
          %dma_start3A_197 = tpu.memref_slice %arg8[%sub3A_186, %dma_start3A] : memref<80x128xi32, #tpu.memory_space<vmem>> -> memref<1x128xi32, #tpu.memory_space<vmem>>
          %dma_start3A_198 = tpu.memref_squeeze %dma_start3A_197 : memref<1x128xi32, #tpu.memory_space<vmem>> -> memref<128xi32, #tpu.memory_space<vmem>>
          %dma_start3A_199 = arith.constant 0 : i32
          %dma_start3A_200 = arith.constant 0 : i32
          %dma_start3A_201 = tpu.memref_slice %arg3[%dma_start3A_199, %dma_start3A_200] : memref<10000x160xbf16, #tpu.memory_space<hbm>> -> memref<10000x160xbf16, #tpu.memory_space<hbm>>
          tpu.enqueue_indirect_dma source(%dma_start3A_201 : memref<10000x160xbf16, #tpu.memory_space<hbm>>) target(%arg13 : memref<128x160xbf16, #tpu.memory_space<vmem>>) offsets(%dma_start3A_198 : memref<128xi32, #tpu.memory_space<vmem>>) semaphore(%arg18 : memref<!tpu.dma_semaphore, #tpu.memory_space<semaphore_mem>>)
        } else {
        }
      } else {
      }
      %dma_wait3A = arith.constant 0 : i32
      %dma_wait3A_121 = arith.constant 0 : i32
      %dma_wait3A_122 = tpu.memref_slice %arg2[%dma_wait3A, %dma_wait3A_121] : memref<10000x160xbf16, #tpu.memory_space<hbm>> -> memref<128x160xbf16, #tpu.memory_space<hbm>>
      %dma_wait3A_123 = arith.constant 0 : i32
      %dma_wait3A_124 = arith.constant 0 : i32
      %dma_wait3A_125 = tpu.memref_slice %arg2[%dma_wait3A_123, %dma_wait3A_124] : memref<10000x160xbf16, #tpu.memory_space<hbm>> -> memref<128x160xbf16, #tpu.memory_space<hbm>>
      tpu.wait_dma2 semaphore(%arg15 : memref<!tpu.dma_semaphore, #tpu.memory_space<semaphore_mem>>) src(%dma_wait3A_125 : memref<128x160xbf16, #tpu.memory_space<hbm>>) dst(%arg10 : memref<128x160xbf16, #tpu.memory_space<vmem>>)
      "tpu.region"() ({
        %run_scoped3A = tpu.sem_alloc : memref<!tpu.dma_semaphore, #tpu.memory_space<semaphore_mem>>
        %dma_start3A = arith.constant 0 : i32
        %dma_start3A_183 = tpu.memref_slice %arg9[%add3A_113, %dma_start3A] : memref<80x128xi32, #tpu.memory_space<vmem>> -> memref<1x128xi32, #tpu.memory_space<vmem>>
        %dma_start3A_184 = tpu.memref_squeeze %dma_start3A_183 : memref<1x128xi32, #tpu.memory_space<vmem>> -> memref<128xi32, #tpu.memory_space<vmem>>
        %dma_start3A_185 = arith.constant 0 : i32
        %dma_start3A_186 = arith.constant 0 : i32
        %dma_start3A_187 = tpu.memref_slice %arg14[%dma_start3A_185, %dma_start3A_186] : memref<10240x160xbf16, #tpu.memory_space<vmem_shared>> -> memref<10240x160xbf16, #tpu.memory_space<vmem_shared>>
        tpu.enqueue_indirect_dma source(%arg10 : memref<128x160xbf16, #tpu.memory_space<vmem>>) target(%dma_start3A_187 : memref<10240x160xbf16, #tpu.memory_space<vmem_shared>>) offsets(%dma_start3A_184 : memref<128xi32, #tpu.memory_space<vmem>>) semaphore(%run_scoped3A : memref<!tpu.dma_semaphore, #tpu.memory_space<semaphore_mem>>) {add = true}
        %dma_wait3A_188 = arith.constant 0 : i32
        %dma_wait3A_189 = tpu.memref_slice %arg9[%add3A_113, %dma_wait3A_188] : memref<80x128xi32, #tpu.memory_space<vmem>> -> memref<1x128xi32, #tpu.memory_space<vmem>>
        %dma_wait3A_190 = tpu.memref_squeeze %dma_wait3A_189 : memref<1x128xi32, #tpu.memory_space<vmem>> -> memref<128xi32, #tpu.memory_space<vmem>>
        %dma_wait3A_191 = arith.constant 0 : i32
        %dma_wait3A_192 = arith.constant 0 : i32
        %dma_wait3A_193 = tpu.memref_slice %arg14[%dma_wait3A_191, %dma_wait3A_192] : memref<10240x160xbf16, #tpu.memory_space<vmem_shared>> -> memref<10240x160xbf16, #tpu.memory_space<vmem_shared>>
        tpu.wait_indirect_dma semaphore(%run_scoped3A : memref<!tpu.dma_semaphore, #tpu.memory_space<semaphore_mem>>) src(%arg10 : memref<128x160xbf16, #tpu.memory_space<vmem>>) dst(%dma_wait3A_193 : memref<10240x160xbf16, #tpu.memory_space<vmem_shared>>)
        tpu.yield
      }) : () -> ()
      %mul3A_126 = arith.constant 4 : i32
      %mul3A_127 = arith.muli %scan3A_109, %mul3A_126 : i32
      %add3A_128 = arith.constant 1 : i32
      %add3A_129 = arith.addi %mul3A_127, %add3A_128 : i32
      %add3A_130 = arith.constant 4 : i32
      %add3A_131 = arith.addi %add3A_129, %add3A_130 : i32
      %sub3A_132 = arith.constant 1 : i32
      %sub3A_133 = arith.subi %add3A_131, %sub3A_132 : i32
      %lt3A_134 = arith.constant 80 : i32
      %lt3A_135 = arith.cmpi slt, %sub3A_133, %lt3A_134 : i32
      %convert_element_type3A_136 = arith.extui %lt3A_135 : i1 to i32
      %cond3A_137 = arith.constant 0 : i32
      %cond3A_138 = arith.cmpi ne, %convert_element_type3A_136, %cond3A_137 : i32
      scf.if %cond3A_138 {
        %add3A_183 = arith.constant 4 : i32
        %add3A_184 = arith.addi %add3A_129, %add3A_183 : i32
        %sub3A_185 = arith.constant 1 : i32
        %sub3A_186 = arith.subi %add3A_184, %sub3A_185 : i32
        %eq3A_187 = arith.constant 0 : i32
        %eq3A_188 = arith.cmpi eq, %arg0, %eq3A_187 : i32
        %convert_element_type3A_189 = arith.extui %eq3A_188 : i1 to i32
        %cond3A_190 = arith.constant 0 : i32
        %cond3A_191 = arith.cmpi ne, %convert_element_type3A_189, %cond3A_190 : i32
        scf.if %cond3A_191 {
          %dma_start3A = arith.constant 0 : i32
          %dma_start3A_197 = tpu.memref_slice %arg8[%sub3A_186, %dma_start3A] : memref<80x128xi32, #tpu.memory_space<vmem>> -> memref<1x128xi32, #tpu.memory_space<vmem>>
          %dma_start3A_198 = tpu.memref_squeeze %dma_start3A_197 : memref<1x128xi32, #tpu.memory_space<vmem>> -> memref<128xi32, #tpu.memory_space<vmem>>
          %dma_start3A_199 = arith.constant 0 : i32
          %dma_start3A_200 = arith.constant 0 : i32
          %dma_start3A_201 = tpu.memref_slice %arg2[%dma_start3A_199, %dma_start3A_200] : memref<10000x160xbf16, #tpu.memory_space<hbm>> -> memref<10000x160xbf16, #tpu.memory_space<hbm>>
          tpu.enqueue_indirect_dma source(%dma_start3A_201 : memref<10000x160xbf16, #tpu.memory_space<hbm>>) target(%arg10 : memref<128x160xbf16, #tpu.memory_space<vmem>>) offsets(%dma_start3A_198 : memref<128xi32, #tpu.memory_space<vmem>>) semaphore(%arg15 : memref<!tpu.dma_semaphore, #tpu.memory_space<semaphore_mem>>)
        } else {
        }
        %eq3A_192 = arith.constant 1 : i32
        %eq3A_193 = arith.cmpi eq, %arg0, %eq3A_192 : i32
        %convert_element_type3A_194 = arith.extui %eq3A_193 : i1 to i32
        %cond3A_195 = arith.constant 0 : i32
        %cond3A_196 = arith.cmpi ne, %convert_element_type3A_194, %cond3A_195 : i32
        scf.if %cond3A_196 {
          %dma_start3A = arith.constant 0 : i32
          %dma_start3A_197 = tpu.memref_slice %arg8[%sub3A_186, %dma_start3A] : memref<80x128xi32, #tpu.memory_space<vmem>> -> memref<1x128xi32, #tpu.memory_space<vmem>>
          %dma_start3A_198 = tpu.memref_squeeze %dma_start3A_197 : memref<1x128xi32, #tpu.memory_space<vmem>> -> memref<128xi32, #tpu.memory_space<vmem>>
          %dma_start3A_199 = arith.constant 0 : i32
          %dma_start3A_200 = arith.constant 0 : i32
          %dma_start3A_201 = tpu.memref_slice %arg3[%dma_start3A_199, %dma_start3A_200] : memref<10000x160xbf16, #tpu.memory_space<hbm>> -> memref<10000x160xbf16, #tpu.memory_space<hbm>>
          tpu.enqueue_indirect_dma source(%dma_start3A_201 : memref<10000x160xbf16, #tpu.memory_space<hbm>>) target(%arg10 : memref<128x160xbf16, #tpu.memory_space<vmem>>) offsets(%dma_start3A_198 : memref<128xi32, #tpu.memory_space<vmem>>) semaphore(%arg15 : memref<!tpu.dma_semaphore, #tpu.memory_space<semaphore_mem>>)
        } else {
        }
      } else {
      }
      %dma_wait3A_139 = arith.constant 0 : i32
      %dma_wait3A_140 = arith.constant 0 : i32
      %dma_wait3A_141 = tpu.memref_slice %arg2[%dma_wait3A_139, %dma_wait3A_140] : memref<10000x160xbf16, #tpu.memory_space<hbm>> -> memref<128x160xbf16, #tpu.memory_space<hbm>>
      %dma_wait3A_142 = arith.constant 0 : i32
      %dma_wait3A_143 = arith.constant 0 : i32
      %dma_wait3A_144 = tpu.memref_slice %arg2[%dma_wait3A_142, %dma_wait3A_143] : memref<10000x160xbf16, #tpu.memory_space<hbm>> -> memref<128x160xbf16, #tpu.memory_space<hbm>>
      tpu.wait_dma2 semaphore(%arg16 : memref<!tpu.dma_semaphore, #tpu.memory_space<semaphore_mem>>) src(%dma_wait3A_144 : memref<128x160xbf16, #tpu.memory_space<hbm>>) dst(%arg11 : memref<128x160xbf16, #tpu.memory_space<vmem>>)
      "tpu.region"() ({
        %run_scoped3A = tpu.sem_alloc : memref<!tpu.dma_semaphore, #tpu.memory_space<semaphore_mem>>
        %dma_start3A = arith.constant 0 : i32
        %dma_start3A_183 = tpu.memref_slice %arg9[%add3A_129, %dma_start3A] : memref<80x128xi32, #tpu.memory_space<vmem>> -> memref<1x128xi32, #tpu.memory_space<vmem>>
        %dma_start3A_184 = tpu.memref_squeeze %dma_start3A_183 : memref<1x128xi32, #tpu.memory_space<vmem>> -> memref<128xi32, #tpu.memory_space<vmem>>
        %dma_start3A_185 = arith.constant 0 : i32
        %dma_start3A_186 = arith.constant 0 : i32
        %dma_start3A_187 = tpu.memref_slice %arg14[%dma_start3A_185, %dma_start3A_186] : memref<10240x160xbf16, #tpu.memory_space<vmem_shared>> -> memref<10240x160xbf16, #tpu.memory_space<vmem_shared>>
        tpu.enqueue_indirect_dma source(%arg11 : memref<128x160xbf16, #tpu.memory_space<vmem>>) target(%dma_start3A_187 : memref<10240x160xbf16, #tpu.memory_space<vmem_shared>>) offsets(%dma_start3A_184 : memref<128xi32, #tpu.memory_space<vmem>>) semaphore(%run_scoped3A : memref<!tpu.dma_semaphore, #tpu.memory_space<semaphore_mem>>) {add = true}
        %dma_wait3A_188 = arith.constant 0 : i32
        %dma_wait3A_189 = tpu.memref_slice %arg9[%add3A_129, %dma_wait3A_188] : memref<80x128xi32, #tpu.memory_space<vmem>> -> memref<1x128xi32, #tpu.memory_space<vmem>>
        %dma_wait3A_190 = tpu.memref_squeeze %dma_wait3A_189 : memref<1x128xi32, #tpu.memory_space<vmem>> -> memref<128xi32, #tpu.memory_space<vmem>>
        %dma_wait3A_191 = arith.constant 0 : i32
        %dma_wait3A_192 = arith.constant 0 : i32
        %dma_wait3A_193 = tpu.memref_slice %arg14[%dma_wait3A_191, %dma_wait3A_192] : memref<10240x160xbf16, #tpu.memory_space<vmem_shared>> -> memref<10240x160xbf16, #tpu.memory_space<vmem_shared>>
        tpu.wait_indirect_dma semaphore(%run_scoped3A : memref<!tpu.dma_semaphore, #tpu.memory_space<semaphore_mem>>) src(%arg11 : memref<128x160xbf16, #tpu.memory_space<vmem>>) dst(%dma_wait3A_193 : memref<10240x160xbf16, #tpu.memory_space<vmem_shared>>)
        tpu.yield
      }) : () -> ()
      %mul3A_145 = arith.constant 4 : i32
      %mul3A_146 = arith.muli %scan3A_109, %mul3A_145 : i32
      %add3A_147 = arith.constant 2 : i32
      %add3A_148 = arith.addi %mul3A_146, %add3A_147 : i32
      %add3A_149 = arith.constant 4 : i32
      %add3A_150 = arith.addi %add3A_148, %add3A_149 : i32
      %sub3A_151 = arith.constant 1 : i32
      %sub3A_152 = arith.subi %add3A_150, %sub3A_151 : i32
      %lt3A_153 = arith.constant 80 : i32
      %lt3A_154 = arith.cmpi slt, %sub3A_152, %lt3A_153 : i32
      %convert_element_type3A_155 = arith.extui %lt3A_154 : i1 to i32
      %cond3A_156 = arith.constant 0 : i32
      %cond3A_157 = arith.cmpi ne, %convert_element_type3A_155, %cond3A_156 : i32
      scf.if %cond3A_157 {
        %add3A_183 = arith.constant 4 : i32
        %add3A_184 = arith.addi %add3A_148, %add3A_183 : i32
        %sub3A_185 = arith.constant 1 : i32
        %sub3A_186 = arith.subi %add3A_184, %sub3A_185 : i32
        %eq3A_187 = arith.constant 0 : i32
        %eq3A_188 = arith.cmpi eq, %arg0, %eq3A_187 : i32
        %convert_element_type3A_189 = arith.extui %eq3A_188 : i1 to i32
        %cond3A_190 = arith.constant 0 : i32
        %cond3A_191 = arith.cmpi ne, %convert_element_type3A_189, %cond3A_190 : i32
        scf.if %cond3A_191 {
          %dma_start3A = arith.constant 0 : i32
          %dma_start3A_197 = tpu.memref_slice %arg8[%sub3A_186, %dma_start3A] : memref<80x128xi32, #tpu.memory_space<vmem>> -> memref<1x128xi32, #tpu.memory_space<vmem>>
          %dma_start3A_198 = tpu.memref_squeeze %dma_start3A_197 : memref<1x128xi32, #tpu.memory_space<vmem>> -> memref<128xi32, #tpu.memory_space<vmem>>
          %dma_start3A_199 = arith.constant 0 : i32
          %dma_start3A_200 = arith.constant 0 : i32
          %dma_start3A_201 = tpu.memref_slice %arg2[%dma_start3A_199, %dma_start3A_200] : memref<10000x160xbf16, #tpu.memory_space<hbm>> -> memref<10000x160xbf16, #tpu.memory_space<hbm>>
          tpu.enqueue_indirect_dma source(%dma_start3A_201 : memref<10000x160xbf16, #tpu.memory_space<hbm>>) target(%arg11 : memref<128x160xbf16, #tpu.memory_space<vmem>>) offsets(%dma_start3A_198 : memref<128xi32, #tpu.memory_space<vmem>>) semaphore(%arg16 : memref<!tpu.dma_semaphore, #tpu.memory_space<semaphore_mem>>)
        } else {
        }
        %eq3A_192 = arith.constant 1 : i32
        %eq3A_193 = arith.cmpi eq, %arg0, %eq3A_192 : i32
        %convert_element_type3A_194 = arith.extui %eq3A_193 : i1 to i32
        %cond3A_195 = arith.constant 0 : i32
        %cond3A_196 = arith.cmpi ne, %convert_element_type3A_194, %cond3A_195 : i32
        scf.if %cond3A_196 {
          %dma_start3A = arith.constant 0 : i32
          %dma_start3A_197 = tpu.memref_slice %arg8[%sub3A_186, %dma_start3A] : memref<80x128xi32, #tpu.memory_space<vmem>> -> memref<1x128xi32, #tpu.memory_space<vmem>>
          %dma_start3A_198 = tpu.memref_squeeze %dma_start3A_197 : memref<1x128xi32, #tpu.memory_space<vmem>> -> memref<128xi32, #tpu.memory_space<vmem>>
          %dma_start3A_199 = arith.constant 0 : i32
          %dma_start3A_200 = arith.constant 0 : i32
          %dma_start3A_201 = tpu.memref_slice %arg3[%dma_start3A_199, %dma_start3A_200] : memref<10000x160xbf16, #tpu.memory_space<hbm>> -> memref<10000x160xbf16, #tpu.memory_space<hbm>>
          tpu.enqueue_indirect_dma source(%dma_start3A_201 : memref<10000x160xbf16, #tpu.memory_space<hbm>>) target(%arg11 : memref<128x160xbf16, #tpu.memory_space<vmem>>) offsets(%dma_start3A_198 : memref<128xi32, #tpu.memory_space<vmem>>) semaphore(%arg16 : memref<!tpu.dma_semaphore, #tpu.memory_space<semaphore_mem>>)
        } else {
        }
      } else {
      }
      %dma_wait3A_158 = arith.constant 0 : i32
      %dma_wait3A_159 = arith.constant 0 : i32
      %dma_wait3A_160 = tpu.memref_slice %arg2[%dma_wait3A_158, %dma_wait3A_159] : memref<10000x160xbf16, #tpu.memory_space<hbm>> -> memref<128x160xbf16, #tpu.memory_space<hbm>>
      %dma_wait3A_161 = arith.constant 0 : i32
      %dma_wait3A_162 = arith.constant 0 : i32
      %dma_wait3A_163 = tpu.memref_slice %arg2[%dma_wait3A_161, %dma_wait3A_162] : memref<10000x160xbf16, #tpu.memory_space<hbm>> -> memref<128x160xbf16, #tpu.memory_space<hbm>>
      tpu.wait_dma2 semaphore(%arg17 : memref<!tpu.dma_semaphore, #tpu.memory_space<semaphore_mem>>) src(%dma_wait3A_163 : memref<128x160xbf16, #tpu.memory_space<hbm>>) dst(%arg12 : memref<128x160xbf16, #tpu.memory_space<vmem>>)
      "tpu.region"() ({
        %run_scoped3A = tpu.sem_alloc : memref<!tpu.dma_semaphore, #tpu.memory_space<semaphore_mem>>
        %dma_start3A = arith.constant 0 : i32
        %dma_start3A_183 = tpu.memref_slice %arg9[%add3A_148, %dma_start3A] : memref<80x128xi32, #tpu.memory_space<vmem>> -> memref<1x128xi32, #tpu.memory_space<vmem>>
        %dma_start3A_184 = tpu.memref_squeeze %dma_start3A_183 : memref<1x128xi32, #tpu.memory_space<vmem>> -> memref<128xi32, #tpu.memory_space<vmem>>
        %dma_start3A_185 = arith.constant 0 : i32
        %dma_start3A_186 = arith.constant 0 : i32
        %dma_start3A_187 = tpu.memref_slice %arg14[%dma_start3A_185, %dma_start3A_186] : memref<10240x160xbf16, #tpu.memory_space<vmem_shared>> -> memref<10240x160xbf16, #tpu.memory_space<vmem_shared>>
        tpu.enqueue_indirect_dma source(%arg12 : memref<128x160xbf16, #tpu.memory_space<vmem>>) target(%dma_start3A_187 : memref<10240x160xbf16, #tpu.memory_space<vmem_shared>>) offsets(%dma_start3A_184 : memref<128xi32, #tpu.memory_space<vmem>>) semaphore(%run_scoped3A : memref<!tpu.dma_semaphore, #tpu.memory_space<semaphore_mem>>) {add = true}
        %dma_wait3A_188 = arith.constant 0 : i32
        %dma_wait3A_189 = tpu.memref_slice %arg9[%add3A_148, %dma_wait3A_188] : memref<80x128xi32, #tpu.memory_space<vmem>> -> memref<1x128xi32, #tpu.memory_space<vmem>>
        %dma_wait3A_190 = tpu.memref_squeeze %dma_wait3A_189 : memref<1x128xi32, #tpu.memory_space<vmem>> -> memref<128xi32, #tpu.memory_space<vmem>>
        %dma_wait3A_191 = arith.constant 0 : i32
        %dma_wait3A_192 = arith.constant 0 : i32
        %dma_wait3A_193 = tpu.memref_slice %arg14[%dma_wait3A_191, %dma_wait3A_192] : memref<10240x160xbf16, #tpu.memory_space<vmem_shared>> -> memref<10240x160xbf16, #tpu.memory_space<vmem_shared>>
        tpu.wait_indirect_dma semaphore(%run_scoped3A : memref<!tpu.dma_semaphore, #tpu.memory_space<semaphore_mem>>) src(%arg12 : memref<128x160xbf16, #tpu.memory_space<vmem>>) dst(%dma_wait3A_193 : memref<10240x160xbf16, #tpu.memory_space<vmem_shared>>)
        tpu.yield
      }) : () -> ()
      %mul3A_164 = arith.constant 4 : i32
      %mul3A_165 = arith.muli %scan3A_109, %mul3A_164 : i32
      %add3A_166 = arith.constant 3 : i32
      %add3A_167 = arith.addi %mul3A_165, %add3A_166 : i32
      %add3A_168 = arith.constant 4 : i32
      %add3A_169 = arith.addi %add3A_167, %add3A_168 : i32
      %sub3A_170 = arith.constant 1 : i32
      %sub3A_171 = arith.subi %add3A_169, %sub3A_170 : i32
      %lt3A_172 = arith.constant 80 : i32
      %lt3A_173 = arith.cmpi slt, %sub3A_171, %lt3A_172 : i32
      %convert_element_type3A_174 = arith.extui %lt3A_173 : i1 to i32
      %cond3A_175 = arith.constant 0 : i32
      %cond3A_176 = arith.cmpi ne, %convert_element_type3A_174, %cond3A_175 : i32
      scf.if %cond3A_176 {
        %add3A_183 = arith.constant 4 : i32
        %add3A_184 = arith.addi %add3A_167, %add3A_183 : i32
        %sub3A_185 = arith.constant 1 : i32
        %sub3A_186 = arith.subi %add3A_184, %sub3A_185 : i32
        %eq3A_187 = arith.constant 0 : i32
        %eq3A_188 = arith.cmpi eq, %arg0, %eq3A_187 : i32
        %convert_element_type3A_189 = arith.extui %eq3A_188 : i1 to i32
        %cond3A_190 = arith.constant 0 : i32
        %cond3A_191 = arith.cmpi ne, %convert_element_type3A_189, %cond3A_190 : i32
        scf.if %cond3A_191 {
          %dma_start3A = arith.constant 0 : i32
          %dma_start3A_197 = tpu.memref_slice %arg8[%sub3A_186, %dma_start3A] : memref<80x128xi32, #tpu.memory_space<vmem>> -> memref<1x128xi32, #tpu.memory_space<vmem>>
          %dma_start3A_198 = tpu.memref_squeeze %dma_start3A_197 : memref<1x128xi32, #tpu.memory_space<vmem>> -> memref<128xi32, #tpu.memory_space<vmem>>
          %dma_start3A_199 = arith.constant 0 : i32
          %dma_start3A_200 = arith.constant 0 : i32
          %dma_start3A_201 = tpu.memref_slice %arg2[%dma_start3A_199, %dma_start3A_200] : memref<10000x160xbf16, #tpu.memory_space<hbm>> -> memref<10000x160xbf16, #tpu.memory_space<hbm>>
          tpu.enqueue_indirect_dma source(%dma_start3A_201 : memref<10000x160xbf16, #tpu.memory_space<hbm>>) target(%arg12 : memref<128x160xbf16, #tpu.memory_space<vmem>>) offsets(%dma_start3A_198 : memref<128xi32, #tpu.memory_space<vmem>>) semaphore(%arg17 : memref<!tpu.dma_semaphore, #tpu.memory_space<semaphore_mem>>)
        } else {
        }
        %eq3A_192 = arith.constant 1 : i32
        %eq3A_193 = arith.cmpi eq, %arg0, %eq3A_192 : i32
        %convert_element_type3A_194 = arith.extui %eq3A_193 : i1 to i32
        %cond3A_195 = arith.constant 0 : i32
        %cond3A_196 = arith.cmpi ne, %convert_element_type3A_194, %cond3A_195 : i32
        scf.if %cond3A_196 {
          %dma_start3A = arith.constant 0 : i32
          %dma_start3A_197 = tpu.memref_slice %arg8[%sub3A_186, %dma_start3A] : memref<80x128xi32, #tpu.memory_space<vmem>> -> memref<1x128xi32, #tpu.memory_space<vmem>>
          %dma_start3A_198 = tpu.memref_squeeze %dma_start3A_197 : memref<1x128xi32, #tpu.memory_space<vmem>> -> memref<128xi32, #tpu.memory_space<vmem>>
          %dma_start3A_199 = arith.constant 0 : i32
          %dma_start3A_200 = arith.constant 0 : i32
          %dma_start3A_201 = tpu.memref_slice %arg3[%dma_start3A_199, %dma_start3A_200] : memref<10000x160xbf16, #tpu.memory_space<hbm>> -> memref<10000x160xbf16, #tpu.memory_space<hbm>>
          tpu.enqueue_indirect_dma source(%dma_start3A_201 : memref<10000x160xbf16, #tpu.memory_space<hbm>>) target(%arg12 : memref<128x160xbf16, #tpu.memory_space<vmem>>) offsets(%dma_start3A_198 : memref<128xi32, #tpu.memory_space<vmem>>) semaphore(%arg17 : memref<!tpu.dma_semaphore, #tpu.memory_space<semaphore_mem>>)
        } else {
        }
      } else {
      }
      %dma_wait3A_177 = arith.constant 0 : i32
      %dma_wait3A_178 = arith.constant 0 : i32
      %dma_wait3A_179 = tpu.memref_slice %arg2[%dma_wait3A_177, %dma_wait3A_178] : memref<10000x160xbf16, #tpu.memory_space<hbm>> -> memref<128x160xbf16, #tpu.memory_space<hbm>>
      %dma_wait3A_180 = arith.constant 0 : i32
      %dma_wait3A_181 = arith.constant 0 : i32
      %dma_wait3A_182 = tpu.memref_slice %arg2[%dma_wait3A_180, %dma_wait3A_181] : memref<10000x160xbf16, #tpu.memory_space<hbm>> -> memref<128x160xbf16, #tpu.memory_space<hbm>>
      tpu.wait_dma2 semaphore(%arg18 : memref<!tpu.dma_semaphore, #tpu.memory_space<semaphore_mem>>) src(%dma_wait3A_182 : memref<128x160xbf16, #tpu.memory_space<hbm>>) dst(%arg13 : memref<128x160xbf16, #tpu.memory_space<vmem>>)
      "tpu.region"() ({
        %run_scoped3A = tpu.sem_alloc : memref<!tpu.dma_semaphore, #tpu.memory_space<semaphore_mem>>
        %dma_start3A = arith.constant 0 : i32
        %dma_start3A_183 = tpu.memref_slice %arg9[%add3A_167, %dma_start3A] : memref<80x128xi32, #tpu.memory_space<vmem>> -> memref<1x128xi32, #tpu.memory_space<vmem>>
        %dma_start3A_184 = tpu.memref_squeeze %dma_start3A_183 : memref<1x128xi32, #tpu.memory_space<vmem>> -> memref<128xi32, #tpu.memory_space<vmem>>
        %dma_start3A_185 = arith.constant 0 : i32
        %dma_start3A_186 = arith.constant 0 : i32
        %dma_start3A_187 = tpu.memref_slice %arg14[%dma_start3A_185, %dma_start3A_186] : memref<10240x160xbf16, #tpu.memory_space<vmem_shared>> -> memref<10240x160xbf16, #tpu.memory_space<vmem_shared>>
        tpu.enqueue_indirect_dma source(%arg13 : memref<128x160xbf16, #tpu.memory_space<vmem>>) target(%dma_start3A_187 : memref<10240x160xbf16, #tpu.memory_space<vmem_shared>>) offsets(%dma_start3A_184 : memref<128xi32, #tpu.memory_space<vmem>>) semaphore(%run_scoped3A : memref<!tpu.dma_semaphore, #tpu.memory_space<semaphore_mem>>) {add = true}
        %dma_wait3A_188 = arith.constant 0 : i32
        %dma_wait3A_189 = tpu.memref_slice %arg9[%add3A_167, %dma_wait3A_188] : memref<80x128xi32, #tpu.memory_space<vmem>> -> memref<1x128xi32, #tpu.memory_space<vmem>>
        %dma_wait3A_190 = tpu.memref_squeeze %dma_wait3A_189 : memref<1x128xi32, #tpu.memory_space<vmem>> -> memref<128xi32, #tpu.memory_space<vmem>>
        %dma_wait3A_191 = arith.constant 0 : i32
        %dma_wait3A_192 = arith.constant 0 : i32
        %dma_wait3A_193 = tpu.memref_slice %arg14[%dma_wait3A_191, %dma_wait3A_192] : memref<10240x160xbf16, #tpu.memory_space<vmem_shared>> -> memref<10240x160xbf16, #tpu.memory_space<vmem_shared>>
        tpu.wait_indirect_dma semaphore(%run_scoped3A : memref<!tpu.dma_semaphore, #tpu.memory_space<semaphore_mem>>) src(%arg13 : memref<128x160xbf16, #tpu.memory_space<vmem>>) dst(%dma_wait3A_193 : memref<10240x160xbf16, #tpu.memory_space<vmem_shared>>)
        tpu.yield
      }) : () -> ()
    }
    %scan3A_47 = arith.constant 20 : i32
    %barrier3A_48 = arith.constant 0 : index
    tpu.barrier barrier_id(%barrier3A_48)
    %add3A_49 = arith.constant 0 : i32
    %add3A_50 = arith.addi %mul3A_5, %add3A_49 : i32
    "tpu.region"() ({
      %run_scoped3A = tpu.sem_alloc : memref<!tpu.dma_semaphore, #tpu.memory_space<semaphore_mem>>
      %dma_start3A = arith.constant 0 : i32
      %dma_start3A_109 = tpu.memref_slice %arg14[%add3A_50, %dma_start3A] : memref<10240x160xbf16, #tpu.memory_space<vmem_shared>> -> memref<128x160xbf16, #tpu.memory_space<vmem_shared>>
      %dma_start3A_110 = arith.constant 0 : i32
      %dma_start3A_111 = tpu.memref_slice %arg14[%add3A_50, %dma_start3A_110] : memref<10240x160xbf16, #tpu.memory_space<vmem_shared>> -> memref<128x160xbf16, #tpu.memory_space<vmem_shared>>
      tpu.enqueue_dma source(%dma_start3A_111 : memref<128x160xbf16, #tpu.memory_space<vmem_shared>>) target(%arg10 : memref<128x160xbf16, #tpu.memory_space<vmem>>) target_semaphore(%run_scoped3A : memref<!tpu.dma_semaphore, #tpu.memory_space<semaphore_mem>>)
      %dma_wait3A = arith.constant 0 : i32
      %dma_wait3A_112 = tpu.memref_slice %arg14[%add3A_50, %dma_wait3A] : memref<10240x160xbf16, #tpu.memory_space<vmem_shared>> -> memref<128x160xbf16, #tpu.memory_space<vmem_shared>>
      %dma_wait3A_113 = arith.constant 0 : i32
      %dma_wait3A_114 = tpu.memref_slice %arg14[%add3A_50, %dma_wait3A_113] : memref<10240x160xbf16, #tpu.memory_space<vmem_shared>> -> memref<128x160xbf16, #tpu.memory_space<vmem_shared>>
      tpu.wait_dma2 semaphore(%run_scoped3A : memref<!tpu.dma_semaphore, #tpu.memory_space<semaphore_mem>>) src(%dma_wait3A_114 : memref<128x160xbf16, #tpu.memory_space<vmem_shared>>) dst(%arg10 : memref<128x160xbf16, #tpu.memory_space<vmem>>)
      tpu.yield
    }) : () -> ()
    %eq3A_51 = arith.constant 0 : i32
    %eq3A_52 = arith.cmpi eq, %arg0, %eq3A_51 : i32
    %convert_element_type3A_53 = arith.extui %eq3A_52 : i1 to i32
    %cond3A_54 = arith.constant 0 : i32
    %cond3A_55 = arith.cmpi ne, %convert_element_type3A_53, %cond3A_54 : i32
    scf.if %cond3A_55 {
      "tpu.region"() ({
        %run_scoped3A = tpu.sem_alloc : memref<!tpu.dma_semaphore, #tpu.memory_space<semaphore_mem>>
        %dma_start3A = arith.constant 0 : i32
        %dma_start3A_109 = tpu.memref_slice %arg6[%add3A_50, %dma_start3A] : memref<10240x160xbf16, #tpu.memory_space<hbm>> -> memref<128x160xbf16, #tpu.memory_space<hbm>>
        %dma_start3A_110 = arith.constant 0 : i32
        %dma_start3A_111 = tpu.memref_slice %arg6[%add3A_50, %dma_start3A_110] : memref<10240x160xbf16, #tpu.memory_space<hbm>> -> memref<128x160xbf16, #tpu.memory_space<hbm>>
        tpu.enqueue_dma source(%arg10 : memref<128x160xbf16, #tpu.memory_space<vmem>>) target(%dma_start3A_111 : memref<128x160xbf16, #tpu.memory_space<hbm>>) target_semaphore(%run_scoped3A : memref<!tpu.dma_semaphore, #tpu.memory_space<semaphore_mem>>)
        %dma_wait3A = arith.constant 0 : i32
        %dma_wait3A_112 = tpu.memref_slice %arg6[%add3A_50, %dma_wait3A] : memref<10240x160xbf16, #tpu.memory_space<hbm>> -> memref<128x160xbf16, #tpu.memory_space<hbm>>
        %dma_wait3A_113 = arith.constant 0 : i32
        %dma_wait3A_114 = tpu.memref_slice %arg6[%add3A_50, %dma_wait3A_113] : memref<10240x160xbf16, #tpu.memory_space<hbm>> -> memref<128x160xbf16, #tpu.memory_space<hbm>>
        tpu.wait_dma2 semaphore(%run_scoped3A : memref<!tpu.dma_semaphore, #tpu.memory_space<semaphore_mem>>) src(%arg10 : memref<128x160xbf16, #tpu.memory_space<vmem>>) dst(%dma_wait3A_114 : memref<128x160xbf16, #tpu.memory_space<hbm>>)
        tpu.yield
      }) : () -> ()
    } else {
    }
    %eq3A_56 = arith.constant 1 : i32
    %eq3A_57 = arith.cmpi eq, %arg0, %eq3A_56 : i32
    %convert_element_type3A_58 = arith.extui %eq3A_57 : i1 to i32
    %cond3A_59 = arith.constant 0 : i32
    %cond3A_60 = arith.cmpi ne, %convert_element_type3A_58, %cond3A_59 : i32
    scf.if %cond3A_60 {
      "tpu.region"() ({
        %run_scoped3A = tpu.sem_alloc : memref<!tpu.dma_semaphore, #tpu.memory_space<semaphore_mem>>
        %dma_start3A = arith.constant 0 : i32
        %dma_start3A_109 = tpu.memref_slice %arg7[%add3A_50, %dma_start3A] : memref<10240x160xbf16, #tpu.memory_space<hbm>> -> memref<128x160xbf16, #tpu.memory_space<hbm>>
        %dma_start3A_110 = arith.constant 0 : i32
        %dma_start3A_111 = tpu.memref_slice %arg7[%add3A_50, %dma_start3A_110] : memref<10240x160xbf16, #tpu.memory_space<hbm>> -> memref<128x160xbf16, #tpu.memory_space<hbm>>
        tpu.enqueue_dma source(%arg10 : memref<128x160xbf16, #tpu.memory_space<vmem>>) target(%dma_start3A_111 : memref<128x160xbf16, #tpu.memory_space<hbm>>) target_semaphore(%run_scoped3A : memref<!tpu.dma_semaphore, #tpu.memory_space<semaphore_mem>>)
        %dma_wait3A = arith.constant 0 : i32
        %dma_wait3A_112 = tpu.memref_slice %arg7[%add3A_50, %dma_wait3A] : memref<10240x160xbf16, #tpu.memory_space<hbm>> -> memref<128x160xbf16, #tpu.memory_space<hbm>>
        %dma_wait3A_113 = arith.constant 0 : i32
        %dma_wait3A_114 = tpu.memref_slice %arg7[%add3A_50, %dma_wait3A_113] : memref<10240x160xbf16, #tpu.memory_space<hbm>> -> memref<128x160xbf16, #tpu.memory_space<hbm>>
        tpu.wait_dma2 semaphore(%run_scoped3A : memref<!tpu.dma_semaphore, #tpu.memory_space<semaphore_mem>>) src(%arg10 : memref<128x160xbf16, #tpu.memory_space<vmem>>) dst(%dma_wait3A_114 : memref<128x160xbf16, #tpu.memory_space<hbm>>)
        tpu.yield
      }) : () -> ()
    } else {
    }
    %add3A_61 = arith.constant 128 : i32
    %add3A_62 = arith.addi %mul3A_5, %add3A_61 : i32
    "tpu.region"() ({
      %run_scoped3A = tpu.sem_alloc : memref<!tpu.dma_semaphore, #tpu.memory_space<semaphore_mem>>
      %dma_start3A = arith.constant 0 : i32
      %dma_start3A_109 = tpu.memref_slice %arg14[%add3A_62, %dma_start3A] : memref<10240x160xbf16, #tpu.memory_space<vmem_shared>> -> memref<128x160xbf16, #tpu.memory_space<vmem_shared>>
      %dma_start3A_110 = arith.constant 0 : i32
      %dma_start3A_111 = tpu.memref_slice %arg14[%add3A_62, %dma_start3A_110] : memref<10240x160xbf16, #tpu.memory_space<vmem_shared>> -> memref<128x160xbf16, #tpu.memory_space<vmem_shared>>
      tpu.enqueue_dma source(%dma_start3A_111 : memref<128x160xbf16, #tpu.memory_space<vmem_shared>>) target(%arg10 : memref<128x160xbf16, #tpu.memory_space<vmem>>) target_semaphore(%run_scoped3A : memref<!tpu.dma_semaphore, #tpu.memory_space<semaphore_mem>>)
      %dma_wait3A = arith.constant 0 : i32
      %dma_wait3A_112 = tpu.memref_slice %arg14[%add3A_62, %dma_wait3A] : memref<10240x160xbf16, #tpu.memory_space<vmem_shared>> -> memref<128x160xbf16, #tpu.memory_space<vmem_shared>>
      %dma_wait3A_113 = arith.constant 0 : i32
      %dma_wait3A_114 = tpu.memref_slice %arg14[%add3A_62, %dma_wait3A_113] : memref<10240x160xbf16, #tpu.memory_space<vmem_shared>> -> memref<128x160xbf16, #tpu.memory_space<vmem_shared>>
      tpu.wait_dma2 semaphore(%run_scoped3A : memref<!tpu.dma_semaphore, #tpu.memory_space<semaphore_mem>>) src(%dma_wait3A_114 : memref<128x160xbf16, #tpu.memory_space<vmem_shared>>) dst(%arg10 : memref<128x160xbf16, #tpu.memory_space<vmem>>)
      tpu.yield
    }) : () -> ()
    %eq3A_63 = arith.constant 0 : i32
    %eq3A_64 = arith.cmpi eq, %arg0, %eq3A_63 : i32
    %convert_element_type3A_65 = arith.extui %eq3A_64 : i1 to i32
    %cond3A_66 = arith.constant 0 : i32
    %cond3A_67 = arith.cmpi ne, %convert_element_type3A_65, %cond3A_66 : i32
    scf.if %cond3A_67 {
      "tpu.region"() ({
        %run_scoped3A = tpu.sem_alloc : memref<!tpu.dma_semaphore, #tpu.memory_space<semaphore_mem>>
        %dma_start3A = arith.constant 0 : i32
        %dma_start3A_109 = tpu.memref_slice %arg6[%add3A_62, %dma_start3A] : memref<10240x160xbf16, #tpu.memory_space<hbm>> -> memref<128x160xbf16, #tpu.memory_space<hbm>>
        %dma_start3A_110 = arith.constant 0 : i32
        %dma_start3A_111 = tpu.memref_slice %arg6[%add3A_62, %dma_start3A_110] : memref<10240x160xbf16, #tpu.memory_space<hbm>> -> memref<128x160xbf16, #tpu.memory_space<hbm>>
        tpu.enqueue_dma source(%arg10 : memref<128x160xbf16, #tpu.memory_space<vmem>>) target(%dma_start3A_111 : memref<128x160xbf16, #tpu.memory_space<hbm>>) target_semaphore(%run_scoped3A : memref<!tpu.dma_semaphore, #tpu.memory_space<semaphore_mem>>)
        %dma_wait3A = arith.constant 0 : i32
        %dma_wait3A_112 = tpu.memref_slice %arg6[%add3A_62, %dma_wait3A] : memref<10240x160xbf16, #tpu.memory_space<hbm>> -> memref<128x160xbf16, #tpu.memory_space<hbm>>
        %dma_wait3A_113 = arith.constant 0 : i32
        %dma_wait3A_114 = tpu.memref_slice %arg6[%add3A_62, %dma_wait3A_113] : memref<10240x160xbf16, #tpu.memory_space<hbm>> -> memref<128x160xbf16, #tpu.memory_space<hbm>>
        tpu.wait_dma2 semaphore(%run_scoped3A : memref<!tpu.dma_semaphore, #tpu.memory_space<semaphore_mem>>) src(%arg10 : memref<128x160xbf16, #tpu.memory_space<vmem>>) dst(%dma_wait3A_114 : memref<128x160xbf16, #tpu.memory_space<hbm>>)
        tpu.yield
      }) : () -> ()
    } else {
    }
    %eq3A_68 = arith.constant 1 : i32
    %eq3A_69 = arith.cmpi eq, %arg0, %eq3A_68 : i32
    %convert_element_type3A_70 = arith.extui %eq3A_69 : i1 to i32
    %cond3A_71 = arith.constant 0 : i32
    %cond3A_72 = arith.cmpi ne, %convert_element_type3A_70, %cond3A_71 : i32
    scf.if %cond3A_72 {
      "tpu.region"() ({
        %run_scoped3A = tpu.sem_alloc : memref<!tpu.dma_semaphore, #tpu.memory_space<semaphore_mem>>
        %dma_start3A = arith.constant 0 : i32
        %dma_start3A_109 = tpu.memref_slice %arg7[%add3A_62, %dma_start3A] : memref<10240x160xbf16, #tpu.memory_space<hbm>> -> memref<128x160xbf16, #tpu.memory_space<hbm>>
        %dma_start3A_110 = arith.constant 0 : i32
        %dma_start3A_111 = tpu.memref_slice %arg7[%add3A_62, %dma_start3A_110] : memref<10240x160xbf16, #tpu.memory_space<hbm>> -> memref<128x160xbf16, #tpu.memory_space<hbm>>
        tpu.enqueue_dma source(%arg10 : memref<128x160xbf16, #tpu.memory_space<vmem>>) target(%dma_start3A_111 : memref<128x160xbf16, #tpu.memory_space<hbm>>) target_semaphore(%run_scoped3A : memref<!tpu.dma_semaphore, #tpu.memory_space<semaphore_mem>>)
        %dma_wait3A = arith.constant 0 : i32
        %dma_wait3A_112 = tpu.memref_slice %arg7[%add3A_62, %dma_wait3A] : memref<10240x160xbf16, #tpu.memory_space<hbm>> -> memref<128x160xbf16, #tpu.memory_space<hbm>>
        %dma_wait3A_113 = arith.constant 0 : i32
        %dma_wait3A_114 = tpu.memref_slice %arg7[%add3A_62, %dma_wait3A_113] : memref<10240x160xbf16, #tpu.memory_space<hbm>> -> memref<128x160xbf16, #tpu.memory_space<hbm>>
        tpu.wait_dma2 semaphore(%run_scoped3A : memref<!tpu.dma_semaphore, #tpu.memory_space<semaphore_mem>>) src(%arg10 : memref<128x160xbf16, #tpu.memory_space<vmem>>) dst(%dma_wait3A_114 : memref<128x160xbf16, #tpu.memory_space<hbm>>)
        tpu.yield
      }) : () -> ()
    } else {
    }
    %add3A_73 = arith.constant 256 : i32
    %add3A_74 = arith.addi %mul3A_5, %add3A_73 : i32
    "tpu.region"() ({
      %run_scoped3A = tpu.sem_alloc : memref<!tpu.dma_semaphore, #tpu.memory_space<semaphore_mem>>
      %dma_start3A = arith.constant 0 : i32
      %dma_start3A_109 = tpu.memref_slice %arg14[%add3A_74, %dma_start3A] : memref<10240x160xbf16, #tpu.memory_space<vmem_shared>> -> memref<128x160xbf16, #tpu.memory_space<vmem_shared>>
      %dma_start3A_110 = arith.constant 0 : i32
      %dma_start3A_111 = tpu.memref_slice %arg14[%add3A_74, %dma_start3A_110] : memref<10240x160xbf16, #tpu.memory_space<vmem_shared>> -> memref<128x160xbf16, #tpu.memory_space<vmem_shared>>
      tpu.enqueue_dma source(%dma_start3A_111 : memref<128x160xbf16, #tpu.memory_space<vmem_shared>>) target(%arg10 : memref<128x160xbf16, #tpu.memory_space<vmem>>) target_semaphore(%run_scoped3A : memref<!tpu.dma_semaphore, #tpu.memory_space<semaphore_mem>>)
      %dma_wait3A = arith.constant 0 : i32
      %dma_wait3A_112 = tpu.memref_slice %arg14[%add3A_74, %dma_wait3A] : memref<10240x160xbf16, #tpu.memory_space<vmem_shared>> -> memref<128x160xbf16, #tpu.memory_space<vmem_shared>>
      %dma_wait3A_113 = arith.constant 0 : i32
      %dma_wait3A_114 = tpu.memref_slice %arg14[%add3A_74, %dma_wait3A_113] : memref<10240x160xbf16, #tpu.memory_space<vmem_shared>> -> memref<128x160xbf16, #tpu.memory_space<vmem_shared>>
      tpu.wait_dma2 semaphore(%run_scoped3A : memref<!tpu.dma_semaphore, #tpu.memory_space<semaphore_mem>>) src(%dma_wait3A_114 : memref<128x160xbf16, #tpu.memory_space<vmem_shared>>) dst(%arg10 : memref<128x160xbf16, #tpu.memory_space<vmem>>)
      tpu.yield
    }) : () -> ()
    %eq3A_75 = arith.constant 0 : i32
    %eq3A_76 = arith.cmpi eq, %arg0, %eq3A_75 : i32
    %convert_element_type3A_77 = arith.extui %eq3A_76 : i1 to i32
    %cond3A_78 = arith.constant 0 : i32
    %cond3A_79 = arith.cmpi ne, %convert_element_type3A_77, %cond3A_78 : i32
    scf.if %cond3A_79 {
      "tpu.region"() ({
        %run_scoped3A = tpu.sem_alloc : memref<!tpu.dma_semaphore, #tpu.memory_space<semaphore_mem>>
        %dma_start3A = arith.constant 0 : i32
        %dma_start3A_109 = tpu.memref_slice %arg6[%add3A_74, %dma_start3A] : memref<10240x160xbf16, #tpu.memory_space<hbm>> -> memref<128x160xbf16, #tpu.memory_space<hbm>>
        %dma_start3A_110 = arith.constant 0 : i32
        %dma_start3A_111 = tpu.memref_slice %arg6[%add3A_74, %dma_start3A_110] : memref<10240x160xbf16, #tpu.memory_space<hbm>> -> memref<128x160xbf16, #tpu.memory_space<hbm>>
        tpu.enqueue_dma source(%arg10 : memref<128x160xbf16, #tpu.memory_space<vmem>>) target(%dma_start3A_111 : memref<128x160xbf16, #tpu.memory_space<hbm>>) target_semaphore(%run_scoped3A : memref<!tpu.dma_semaphore, #tpu.memory_space<semaphore_mem>>)
        %dma_wait3A = arith.constant 0 : i32
        %dma_wait3A_112 = tpu.memref_slice %arg6[%add3A_74, %dma_wait3A] : memref<10240x160xbf16, #tpu.memory_space<hbm>> -> memref<128x160xbf16, #tpu.memory_space<hbm>>
        %dma_wait3A_113 = arith.constant 0 : i32
        %dma_wait3A_114 = tpu.memref_slice %arg6[%add3A_74, %dma_wait3A_113] : memref<10240x160xbf16, #tpu.memory_space<hbm>> -> memref<128x160xbf16, #tpu.memory_space<hbm>>
        tpu.wait_dma2 semaphore(%run_scoped3A : memref<!tpu.dma_semaphore, #tpu.memory_space<semaphore_mem>>) src(%arg10 : memref<128x160xbf16, #tpu.memory_space<vmem>>) dst(%dma_wait3A_114 : memref<128x160xbf16, #tpu.memory_space<hbm>>)
        tpu.yield
      }) : () -> ()
    } else {
    }
    %eq3A_80 = arith.constant 1 : i32
    %eq3A_81 = arith.cmpi eq, %arg0, %eq3A_80 : i32
    %convert_element_type3A_82 = arith.extui %eq3A_81 : i1 to i32
    %cond3A_83 = arith.constant 0 : i32
    %cond3A_84 = arith.cmpi ne, %convert_element_type3A_82, %cond3A_83 : i32
    scf.if %cond3A_84 {
      "tpu.region"() ({
        %run_scoped3A = tpu.sem_alloc : memref<!tpu.dma_semaphore, #tpu.memory_space<semaphore_mem>>
        %dma_start3A = arith.constant 0 : i32
        %dma_start3A_109 = tpu.memref_slice %arg7[%add3A_74, %dma_start3A] : memref<10240x160xbf16, #tpu.memory_space<hbm>> -> memref<128x160xbf16, #tpu.memory_space<hbm>>
        %dma_start3A_110 = arith.constant 0 : i32
        %dma_start3A_111 = tpu.memref_slice %arg7[%add3A_74, %dma_start3A_110] : memref<10240x160xbf16, #tpu.memory_space<hbm>> -> memref<128x160xbf16, #tpu.memory_space<hbm>>
        tpu.enqueue_dma source(%arg10 : memref<128x160xbf16, #tpu.memory_space<vmem>>) target(%dma_start3A_111 : memref<128x160xbf16, #tpu.memory_space<hbm>>) target_semaphore(%run_scoped3A : memref<!tpu.dma_semaphore, #tpu.memory_space<semaphore_mem>>)
        %dma_wait3A = arith.constant 0 : i32
        %dma_wait3A_112 = tpu.memref_slice %arg7[%add3A_74, %dma_wait3A] : memref<10240x160xbf16, #tpu.memory_space<hbm>> -> memref<128x160xbf16, #tpu.memory_space<hbm>>
        %dma_wait3A_113 = arith.constant 0 : i32
        %dma_wait3A_114 = tpu.memref_slice %arg7[%add3A_74, %dma_wait3A_113] : memref<10240x160xbf16, #tpu.memory_space<hbm>> -> memref<128x160xbf16, #tpu.memory_space<hbm>>
        tpu.wait_dma2 semaphore(%run_scoped3A : memref<!tpu.dma_semaphore, #tpu.memory_space<semaphore_mem>>) src(%arg10 : memref<128x160xbf16, #tpu.memory_space<vmem>>) dst(%dma_wait3A_114 : memref<128x160xbf16, #tpu.memory_space<hbm>>)
        tpu.yield
      }) : () -> ()
    } else {
    }
    %add3A_85 = arith.constant 384 : i32
    %add3A_86 = arith.addi %mul3A_5, %add3A_85 : i32
    "tpu.region"() ({
      %run_scoped3A = tpu.sem_alloc : memref<!tpu.dma_semaphore, #tpu.memory_space<semaphore_mem>>
      %dma_start3A = arith.constant 0 : i32
      %dma_start3A_109 = tpu.memref_slice %arg14[%add3A_86, %dma_start3A] : memref<10240x160xbf16, #tpu.memory_space<vmem_shared>> -> memref<128x160xbf16, #tpu.memory_space<vmem_shared>>
      %dma_start3A_110 = arith.constant 0 : i32
      %dma_start3A_111 = tpu.memref_slice %arg14[%add3A_86, %dma_start3A_110] : memref<10240x160xbf16, #tpu.memory_space<vmem_shared>> -> memref<128x160xbf16, #tpu.memory_space<vmem_shared>>
      tpu.enqueue_dma source(%dma_start3A_111 : memref<128x160xbf16, #tpu.memory_space<vmem_shared>>) target(%arg10 : memref<128x160xbf16, #tpu.memory_space<vmem>>) target_semaphore(%run_scoped3A : memref<!tpu.dma_semaphore, #tpu.memory_space<semaphore_mem>>)
      %dma_wait3A = arith.constant 0 : i32
      %dma_wait3A_112 = tpu.memref_slice %arg14[%add3A_86, %dma_wait3A] : memref<10240x160xbf16, #tpu.memory_space<vmem_shared>> -> memref<128x160xbf16, #tpu.memory_space<vmem_shared>>
      %dma_wait3A_113 = arith.constant 0 : i32
      %dma_wait3A_114 = tpu.memref_slice %arg14[%add3A_86, %dma_wait3A_113] : memref<10240x160xbf16, #tpu.memory_space<vmem_shared>> -> memref<128x160xbf16, #tpu.memory_space<vmem_shared>>
      tpu.wait_dma2 semaphore(%run_scoped3A : memref<!tpu.dma_semaphore, #tpu.memory_space<semaphore_mem>>) src(%dma_wait3A_114 : memref<128x160xbf16, #tpu.memory_space<vmem_shared>>) dst(%arg10 : memref<128x160xbf16, #tpu.memory_space<vmem>>)
      tpu.yield
    }) : () -> ()
    %eq3A_87 = arith.constant 0 : i32
    %eq3A_88 = arith.cmpi eq, %arg0, %eq3A_87 : i32
    %convert_element_type3A_89 = arith.extui %eq3A_88 : i1 to i32
    %cond3A_90 = arith.constant 0 : i32
    %cond3A_91 = arith.cmpi ne, %convert_element_type3A_89, %cond3A_90 : i32
    scf.if %cond3A_91 {
      "tpu.region"() ({
        %run_scoped3A = tpu.sem_alloc : memref<!tpu.dma_semaphore, #tpu.memory_space<semaphore_mem>>
        %dma_start3A = arith.constant 0 : i32
        %dma_start3A_109 = tpu.memref_slice %arg6[%add3A_86, %dma_start3A] : memref<10240x160xbf16, #tpu.memory_space<hbm>> -> memref<128x160xbf16, #tpu.memory_space<hbm>>
        %dma_start3A_110 = arith.constant 0 : i32
        %dma_start3A_111 = tpu.memref_slice %arg6[%add3A_86, %dma_start3A_110] : memref<10240x160xbf16, #tpu.memory_space<hbm>> -> memref<128x160xbf16, #tpu.memory_space<hbm>>
        tpu.enqueue_dma source(%arg10 : memref<128x160xbf16, #tpu.memory_space<vmem>>) target(%dma_start3A_111 : memref<128x160xbf16, #tpu.memory_space<hbm>>) target_semaphore(%run_scoped3A : memref<!tpu.dma_semaphore, #tpu.memory_space<semaphore_mem>>)
        %dma_wait3A = arith.constant 0 : i32
        %dma_wait3A_112 = tpu.memref_slice %arg6[%add3A_86, %dma_wait3A] : memref<10240x160xbf16, #tpu.memory_space<hbm>> -> memref<128x160xbf16, #tpu.memory_space<hbm>>
        %dma_wait3A_113 = arith.constant 0 : i32
        %dma_wait3A_114 = tpu.memref_slice %arg6[%add3A_86, %dma_wait3A_113] : memref<10240x160xbf16, #tpu.memory_space<hbm>> -> memref<128x160xbf16, #tpu.memory_space<hbm>>
        tpu.wait_dma2 semaphore(%run_scoped3A : memref<!tpu.dma_semaphore, #tpu.memory_space<semaphore_mem>>) src(%arg10 : memref<128x160xbf16, #tpu.memory_space<vmem>>) dst(%dma_wait3A_114 : memref<128x160xbf16, #tpu.memory_space<hbm>>)
        tpu.yield
      }) : () -> ()
    } else {
    }
    %eq3A_92 = arith.constant 1 : i32
    %eq3A_93 = arith.cmpi eq, %arg0, %eq3A_92 : i32
    %convert_element_type3A_94 = arith.extui %eq3A_93 : i1 to i32
    %cond3A_95 = arith.constant 0 : i32
    %cond3A_96 = arith.cmpi ne, %convert_element_type3A_94, %cond3A_95 : i32
    scf.if %cond3A_96 {
      "tpu.region"() ({
        %run_scoped3A = tpu.sem_alloc : memref<!tpu.dma_semaphore, #tpu.memory_space<semaphore_mem>>
        %dma_start3A = arith.constant 0 : i32
        %dma_start3A_109 = tpu.memref_slice %arg7[%add3A_86, %dma_start3A] : memref<10240x160xbf16, #tpu.memory_space<hbm>> -> memref<128x160xbf16, #tpu.memory_space<hbm>>
        %dma_start3A_110 = arith.constant 0 : i32
        %dma_start3A_111 = tpu.memref_slice %arg7[%add3A_86, %dma_start3A_110] : memref<10240x160xbf16, #tpu.memory_space<hbm>> -> memref<128x160xbf16, #tpu.memory_space<hbm>>
        tpu.enqueue_dma source(%arg10 : memref<128x160xbf16, #tpu.memory_space<vmem>>) target(%dma_start3A_111 : memref<128x160xbf16, #tpu.memory_space<hbm>>) target_semaphore(%run_scoped3A : memref<!tpu.dma_semaphore, #tpu.memory_space<semaphore_mem>>)
        %dma_wait3A = arith.constant 0 : i32
        %dma_wait3A_112 = tpu.memref_slice %arg7[%add3A_86, %dma_wait3A] : memref<10240x160xbf16, #tpu.memory_space<hbm>> -> memref<128x160xbf16, #tpu.memory_space<hbm>>
        %dma_wait3A_113 = arith.constant 0 : i32
        %dma_wait3A_114 = tpu.memref_slice %arg7[%add3A_86, %dma_wait3A_113] : memref<10240x160xbf16, #tpu.memory_space<hbm>> -> memref<128x160xbf16, #tpu.memory_space<hbm>>
        tpu.wait_dma2 semaphore(%run_scoped3A : memref<!tpu.dma_semaphore, #tpu.memory_space<semaphore_mem>>) src(%arg10 : memref<128x160xbf16, #tpu.memory_space<vmem>>) dst(%dma_wait3A_114 : memref<128x160xbf16, #tpu.memory_space<hbm>>)
        tpu.yield
      }) : () -> ()
    } else {
    }
    %add3A_97 = arith.constant 512 : i32
    %add3A_98 = arith.addi %mul3A_5, %add3A_97 : i32
    "tpu.region"() ({
      %run_scoped3A = tpu.sem_alloc : memref<!tpu.dma_semaphore, #tpu.memory_space<semaphore_mem>>
      %dma_start3A = arith.constant 0 : i32
      %dma_start3A_109 = tpu.memref_slice %arg14[%add3A_98, %dma_start3A] : memref<10240x160xbf16, #tpu.memory_space<vmem_shared>> -> memref<128x160xbf16, #tpu.memory_space<vmem_shared>>
      %dma_start3A_110 = arith.constant 0 : i32
      %dma_start3A_111 = tpu.memref_slice %arg14[%add3A_98, %dma_start3A_110] : memref<10240x160xbf16, #tpu.memory_space<vmem_shared>> -> memref<128x160xbf16, #tpu.memory_space<vmem_shared>>
      tpu.enqueue_dma source(%dma_start3A_111 : memref<128x160xbf16, #tpu.memory_space<vmem_shared>>) target(%arg10 : memref<128x160xbf16, #tpu.memory_space<vmem>>) target_semaphore(%run_scoped3A : memref<!tpu.dma_semaphore, #tpu.memory_space<semaphore_mem>>)
      %dma_wait3A = arith.constant 0 : i32
      %dma_wait3A_112 = tpu.memref_slice %arg14[%add3A_98, %dma_wait3A] : memref<10240x160xbf16, #tpu.memory_space<vmem_shared>> -> memref<128x160xbf16, #tpu.memory_space<vmem_shared>>
      %dma_wait3A_113 = arith.constant 0 : i32
      %dma_wait3A_114 = tpu.memref_slice %arg14[%add3A_98, %dma_wait3A_113] : memref<10240x160xbf16, #tpu.memory_space<vmem_shared>> -> memref<128x160xbf16, #tpu.memory_space<vmem_shared>>
      tpu.wait_dma2 semaphore(%run_scoped3A : memref<!tpu.dma_semaphore, #tpu.memory_space<semaphore_mem>>) src(%dma_wait3A_114 : memref<128x160xbf16, #tpu.memory_space<vmem_shared>>) dst(%arg10 : memref<128x160xbf16, #tpu.memory_space<vmem>>)
      tpu.yield
    }) : () -> ()
    %eq3A_99 = arith.constant 0 : i32
    %eq3A_100 = arith.cmpi eq, %arg0, %eq3A_99 : i32
    %convert_element_type3A_101 = arith.extui %eq3A_100 : i1 to i32
    %cond3A_102 = arith.constant 0 : i32
    %cond3A_103 = arith.cmpi ne, %convert_element_type3A_101, %cond3A_102 : i32
    scf.if %cond3A_103 {
      "tpu.region"() ({
        %run_scoped3A = tpu.sem_alloc : memref<!tpu.dma_semaphore, #tpu.memory_space<semaphore_mem>>
        %dma_start3A = arith.constant 0 : i32
        %dma_start3A_109 = tpu.memref_slice %arg6[%add3A_98, %dma_start3A] : memref<10240x160xbf16, #tpu.memory_space<hbm>> -> memref<128x160xbf16, #tpu.memory_space<hbm>>
        %dma_start3A_110 = arith.constant 0 : i32
        %dma_start3A_111 = tpu.memref_slice %arg6[%add3A_98, %dma_start3A_110] : memref<10240x160xbf16, #tpu.memory_space<hbm>> -> memref<128x160xbf16, #tpu.memory_space<hbm>>
        tpu.enqueue_dma source(%arg10 : memref<128x160xbf16, #tpu.memory_space<vmem>>) target(%dma_start3A_111 : memref<128x160xbf16, #tpu.memory_space<hbm>>) target_semaphore(%run_scoped3A : memref<!tpu.dma_semaphore, #tpu.memory_space<semaphore_mem>>)
        %dma_wait3A = arith.constant 0 : i32
        %dma_wait3A_112 = tpu.memref_slice %arg6[%add3A_98, %dma_wait3A] : memref<10240x160xbf16, #tpu.memory_space<hbm>> -> memref<128x160xbf16, #tpu.memory_space<hbm>>
        %dma_wait3A_113 = arith.constant 0 : i32
        %dma_wait3A_114 = tpu.memref_slice %arg6[%add3A_98, %dma_wait3A_113] : memref<10240x160xbf16, #tpu.memory_space<hbm>> -> memref<128x160xbf16, #tpu.memory_space<hbm>>
        tpu.wait_dma2 semaphore(%run_scoped3A : memref<!tpu.dma_semaphore, #tpu.memory_space<semaphore_mem>>) src(%arg10 : memref<128x160xbf16, #tpu.memory_space<vmem>>) dst(%dma_wait3A_114 : memref<128x160xbf16, #tpu.memory_space<hbm>>)
        tpu.yield
      }) : () -> ()
    } else {
    }
    %eq3A_104 = arith.constant 1 : i32
    %eq3A_105 = arith.cmpi eq, %arg0, %eq3A_104 : i32
    %convert_element_type3A_106 = arith.extui %eq3A_105 : i1 to i32
    %cond3A_107 = arith.constant 0 : i32
    %cond3A_108 = arith.cmpi ne, %convert_element_type3A_106, %cond3A_107 : i32
    scf.if %cond3A_108 {
      "tpu.region"() ({
        %run_scoped3A = tpu.sem_alloc : memref<!tpu.dma_semaphore, #tpu.memory_space<semaphore_mem>>
        %dma_start3A = arith.constant 0 : i32
        %dma_start3A_109 = tpu.memref_slice %arg7[%add3A_98, %dma_start3A] : memref<10240x160xbf16, #tpu.memory_space<hbm>> -> memref<128x160xbf16, #tpu.memory_space<hbm>>
        %dma_start3A_110 = arith.constant 0 : i32
        %dma_start3A_111 = tpu.memref_slice %arg7[%add3A_98, %dma_start3A_110] : memref<10240x160xbf16, #tpu.memory_space<hbm>> -> memref<128x160xbf16, #tpu.memory_space<hbm>>
        tpu.enqueue_dma source(%arg10 : memref<128x160xbf16, #tpu.memory_space<vmem>>) target(%dma_start3A_111 : memref<128x160xbf16, #tpu.memory_space<hbm>>) target_semaphore(%run_scoped3A : memref<!tpu.dma_semaphore, #tpu.memory_space<semaphore_mem>>)
        %dma_wait3A = arith.constant 0 : i32
        %dma_wait3A_112 = tpu.memref_slice %arg7[%add3A_98, %dma_wait3A] : memref<10240x160xbf16, #tpu.memory_space<hbm>> -> memref<128x160xbf16, #tpu.memory_space<hbm>>
        %dma_wait3A_113 = arith.constant 0 : i32
        %dma_wait3A_114 = tpu.memref_slice %arg7[%add3A_98, %dma_wait3A_113] : memref<10240x160xbf16, #tpu.memory_space<hbm>> -> memref<128x160xbf16, #tpu.memory_space<hbm>>
        tpu.wait_dma2 semaphore(%run_scoped3A : memref<!tpu.dma_semaphore, #tpu.memory_space<semaphore_mem>>) src(%arg10 : memref<128x160xbf16, #tpu.memory_space<vmem>>) dst(%dma_wait3A_114 : memref<128x160xbf16, #tpu.memory_space<hbm>>)
        tpu.yield
      }) : () -> ()
    } else {
    }
    return
  }
}

module attributes {stable_mosaic.version = 14 : i64} {
  func.func @_dense_body(%arg0: i32, %arg1: memref<1000x128xbf16, #tpu.memory_space<vmem>>, %arg2: memref<1000x128xbf16, #tpu.memory_space<vmem>>, %arg3: memref<1000x1xbf16, #tpu.memory_space<vmem>>, %arg4: memref<1000x256xf32, #tpu.memory_space<vmem>>, %arg5: memref<256x128xf32, #tpu.memory_space<vmem>>, %arg6: memref<256x128xf32, #tpu.memory_space<vmem>>, %arg7: memref<256x256xf32, #tpu.memory_space<vmem>>, %arg8: memref<1x256xf32, #tpu.memory_space<vmem>>, %arg9: memref<1000x256xf32, #tpu.memory_space<vmem>>) attributes {dimension_semantics = [#tpu.dimension_semantics<arbitrary>], iteration_bounds = array<i64: 10>, scalar_prefetch = 0 : i64, scratch_operands = 0 : i64, tpu.core_type = #tpu.core_type<tc>, window_params = [{transform_indices = @transform_0, window_bounds = array<i64: 1000, 128>}, {transform_indices = @transform_1, window_bounds = array<i64: 1000, 128>}, {transform_indices = @transform_2, window_bounds = array<i64: 1000, 1>}, {transform_indices = @transform_3, window_bounds = array<i64: 1000, 256>}, {pipeline_mode = #tpu.pipeline_mode<synchronous>, transform_indices = @transform_4, window_bounds = array<i64: 256, 128>}, {pipeline_mode = #tpu.pipeline_mode<synchronous>, transform_indices = @transform_5, window_bounds = array<i64: 256, 128>}, {pipeline_mode = #tpu.pipeline_mode<synchronous>, transform_indices = @transform_6, window_bounds = array<i64: 256, 256>}, {pipeline_mode = #tpu.pipeline_mode<synchronous>, transform_indices = @transform_7, window_bounds = array<i64: 1, 256>}, {transform_indices = @transform_8, window_bounds = array<i64: 1000, 256>}]} {
    %get3A = arith.constant 0 : index
    %get3A_0 = arith.constant 0 : index
    %get3A_1 = vector.load %arg3[%get3A, %get3A_0] : memref<1000x1xbf16, #tpu.memory_space<vmem>>, vector<1000x1xbf16>
    %convert_element_type3A = arith.extf %get3A_1 : vector<1000x1xbf16> to vector<1000x1xf32>
    %gt3A = arith.constant 0.000000e+00 : f32
    %gt3A_2 = vector.broadcast %gt3A : f32 to vector<1000x1xf32>
    %gt3A_3 = arith.cmpf ogt, %convert_element_type3A, %gt3A_2 : vector<1000x1xf32>
    %max3A = arith.constant 1.000000e+00 : f32
    %max3A_4 = vector.broadcast %max3A : f32 to vector<1000x1xf32>
    %max3A_5 = arith.maximumf %convert_element_type3A, %max3A_4 : vector<1000x1xf32>
    %div3A = arith.constant 1.000000e+00 : f32
    %div3A_6 = vector.broadcast %div3A : f32 to vector<1000x1xf32>
    %div3A_7 = arith.divf %div3A_6, %max3A_5 : vector<1000x1xf32>
    %jit3A = arith.constant 0.000000e+00 : f32
    %broadcast_in_dim3A = vector.broadcast %jit3A : f32 to vector<1000x1xf32>
    %select_n3A = arith.select %gt3A_3, %div3A_7, %broadcast_in_dim3A : vector<1000x1xi1>, vector<1000x1xf32>
    %get3A_8 = arith.constant 0 : index
    %get3A_9 = arith.constant 0 : index
    %get3A_10 = vector.load %arg1[%get3A_8, %get3A_9] : memref<1000x128xbf16, #tpu.memory_space<vmem>>, vector<1000x128xbf16>
    %convert_element_type3A_11 = arith.extf %get3A_10 : vector<1000x128xbf16> to vector<1000x128xf32>
    %mul3A = vector.broadcast %select_n3A : vector<1000x1xf32> to vector<1000x128xf32>
    %mul3A_12 = arith.mulf %convert_element_type3A_11, %mul3A : vector<1000x128xf32>
    %get3A_13 = arith.constant 0 : index
    %get3A_14 = arith.constant 0 : index
    %get3A_15 = vector.load %arg5[%get3A_13, %get3A_14] : memref<256x128xf32, #tpu.memory_space<vmem>>, vector<256x128xf32>
    %dot_general3A = arith.constant dense<0.000000e+00> : vector<1000x256xf32>
    %dot_general3A_16 = tpu.matmul %mul3A_12, %get3A_15, %dot_general3A {dimension_numbers = #tpu.dot_dimension_numbers<[1], [1], [0], [0], [0, 0, 1, 0], [], []>, transpose_lhs_hint = false} : vector<1000x128xf32>, vector<256x128xf32>, vector<1000x256xf32> -> vector<1000x256xf32>
    %get3A_17 = arith.constant 0 : index
    %get3A_18 = arith.constant 0 : index
    %get3A_19 = vector.load %arg2[%get3A_17, %get3A_18] : memref<1000x128xbf16, #tpu.memory_space<vmem>>, vector<1000x128xbf16>
    %convert_element_type3A_20 = arith.extf %get3A_19 : vector<1000x128xbf16> to vector<1000x128xf32>
    %mul3A_21 = vector.broadcast %select_n3A : vector<1000x1xf32> to vector<1000x128xf32>
    %mul3A_22 = arith.mulf %convert_element_type3A_20, %mul3A_21 : vector<1000x128xf32>
    %get3A_23 = arith.constant 0 : index
    %get3A_24 = arith.constant 0 : index
    %get3A_25 = vector.load %arg6[%get3A_23, %get3A_24] : memref<256x128xf32, #tpu.memory_space<vmem>>, vector<256x128xf32>
    %dot_general3A_26 = arith.constant dense<0.000000e+00> : vector<1000x256xf32>
    %dot_general3A_27 = tpu.matmul %mul3A_22, %get3A_25, %dot_general3A_26 {dimension_numbers = #tpu.dot_dimension_numbers<[1], [1], [0], [0], [0, 0, 1, 0], [], []>, transpose_lhs_hint = false} : vector<1000x128xf32>, vector<256x128xf32>, vector<1000x256xf32> -> vector<1000x256xf32>
    %add3A = arith.addf %dot_general3A_16, %dot_general3A_27 : vector<1000x256xf32>
    %get3A_28 = arith.constant 0 : index
    %get3A_29 = arith.constant 0 : index
    %get3A_30 = vector.load %arg4[%get3A_28, %get3A_29] : memref<1000x256xf32, #tpu.memory_space<vmem>>, vector<1000x256xf32>
    %get3A_31 = arith.constant 0 : index
    %get3A_32 = arith.constant 0 : index
    %get3A_33 = vector.load %arg7[%get3A_31, %get3A_32] : memref<256x256xf32, #tpu.memory_space<vmem>>, vector<256x256xf32>
    %dot_general3A_34 = arith.constant dense<0.000000e+00> : vector<1000x256xf32>
    %dot_general3A_35 = tpu.matmul %get3A_30, %get3A_33, %dot_general3A_34 {dimension_numbers = #tpu.dot_dimension_numbers<[1], [1], [0], [0], [0, 0, 1, 0], [], []>, transpose_lhs_hint = false} : vector<1000x256xf32>, vector<256x256xf32>, vector<1000x256xf32> -> vector<1000x256xf32>
    %add3A_36 = arith.addf %add3A, %dot_general3A_35 : vector<1000x256xf32>
    %get3A_37 = arith.constant 0 : index
    %get3A_38 = arith.constant 0 : index
    %get3A_39 = vector.load %arg8[%get3A_37, %get3A_38] : memref<1x256xf32, #tpu.memory_space<vmem>>, vector<1x256xf32>
    %add3A_40 = vector.broadcast %get3A_39 : vector<1x256xf32> to vector<1000x256xf32>
    %add3A_41 = arith.addf %add3A_36, %add3A_40 : vector<1000x256xf32>
    %max3A_42 = arith.constant 0.000000e+00 : f32
    %max3A_43 = vector.broadcast %max3A_42 : f32 to vector<1000x256xf32>
    %max3A_44 = arith.maximumf %add3A_41, %max3A_43 : vector<1000x256xf32>
    %swap3A = arith.constant 0 : index
    %swap3A_45 = arith.constant 0 : index
    %swap3A_46 = vector.load %arg9[%swap3A, %swap3A_45] : memref<1000x256xf32, #tpu.memory_space<vmem>>, vector<1000x256xf32>
    tpu.vector_store %arg9[%swap3A, %swap3A_45], %max3A_44 {strides = array<i32>} : memref<1000x256xf32, #tpu.memory_space<vmem>>, vector<1000x256xf32>,
    return
  }
  func.func @transform_0(%arg0: i32) -> (i32, i32) {
    %c0_i32 = arith.constant 0 : i32
    %c0_i32_0 = arith.constant 0 : i32
    return %arg0, %c0_i32 : i32, i32
  }
  func.func @transform_1(%arg0: i32) -> (i32, i32) {
    %c0_i32 = arith.constant 0 : i32
    %c0_i32_0 = arith.constant 0 : i32
    return %arg0, %c0_i32 : i32, i32
  }
  func.func @transform_2(%arg0: i32) -> (i32, i32) {
    %c0_i32 = arith.constant 0 : i32
    %c0_i32_0 = arith.constant 0 : i32
    return %arg0, %c0_i32 : i32, i32
  }
  func.func @transform_3(%arg0: i32) -> (i32, i32) {
    %c0_i32 = arith.constant 0 : i32
    %c0_i32_0 = arith.constant 0 : i32
    return %arg0, %c0_i32 : i32, i32
  }
  func.func @transform_4(%arg0: i32) -> (i32, i32) {
    %c0_i32 = arith.constant 0 : i32
    %c0_i32_0 = arith.constant 0 : i32
    %c0_i32_1 = arith.constant 0 : i32
    return %c0_i32, %c0_i32_0 : i32, i32
  }
  func.func @transform_5(%arg0: i32) -> (i32, i32) {
    %c0_i32 = arith.constant 0 : i32
    %c0_i32_0 = arith.constant 0 : i32
    %c0_i32_1 = arith.constant 0 : i32
    return %c0_i32, %c0_i32_0 : i32, i32
  }
  func.func @transform_6(%arg0: i32) -> (i32, i32) {
    %c0_i32 = arith.constant 0 : i32
    %c0_i32_0 = arith.constant 0 : i32
    %c0_i32_1 = arith.constant 0 : i32
    return %c0_i32, %c0_i32_0 : i32, i32
  }
  func.func @transform_7(%arg0: i32) -> (i32, i32) {
    %c0_i32 = arith.constant 0 : i32
    %c0_i32_0 = arith.constant 0 : i32
    %c0_i32_1 = arith.constant 0 : i32
    return %c0_i32, %c0_i32_0 : i32, i32
  }
  func.func @transform_8(%arg0: i32) -> (i32, i32) {
    %c0_i32 = arith.constant 0 : i32
    %c0_i32_0 = arith.constant 0 : i32
    return %arg0, %c0_i32 : i32, i32
  }
}

</mosaic_0001>

<sc_bundles>
// kernel: kernel.4.cloned.1.call-start
scs
__scs_entry_jumppad:
0x0: {  	(pc) =	sbr.rel $0x88, $3  }
0x1: {  	(tag) =	ssettag $0x0;
	lr =	simm.s32 $0x1  }
0x2: {  	[smem:$0x3F9D] =	sst lr;
	_ =	strace $0xD0000000  }
0x3: {  	_ = 	snop  }
0x4: {  	_ = 	snop  }
0x5: {  	_ = 	snop  }
0x6: {  	_ = 	snop  }
0x7: {  	_ = 	snop  }
__scs_overlays_trampoline_lowered:
0x8: {  	[smem:$0x3FAC] =	sst s0  }
0x9: {  	[smem:$0x3FAD] =	sst s1  }
0xa: {  	[smem:$0x3FAE] =	sst s2  }
0xb: {  	[smem:$0x3FAF] =	sst s3  }
0xc: {  	[smem:$0x3FB0] =	sst s4  }
0xd: {  	[smem:$0x3FB1] =	sst s5  }
0xe: {  	[smem:$0x3FB2] =	sst s6  }
0xf: {  	[smem:$0x3FB3] =	sst s7  }
0x10: {  	[smem:$0x3FB4] =	sst s8  }
0x11: {  	[smem:$0x3FB5] =	sst s9;
	s0 =	simm.s32 @!p0 $0x0  }
0x12: {  	s1 =	sld [smem:$0x3F9B];
	s0 =	simm.s32 @p0 $0x1  }
0x13: {  	[smem:$0x3FB6] =	sst s0;
	s0 =	simm.s32 @!p1 $0x0  }
0x14: {  	s2 =	sld [smem:$0x3F9A];
	s0 =	simm.s32 @p1 $0x1  }
0x15: {  	[smem:$0x3FB7] =	sst s0;
	s0 =	simm.s32 @!p2 $0x0  }
0x16: {  	s3 =	sld [smem:$0x3FDB];
	s0 =	simm.s32 @p2 $0x1  }
0x17: {  	s4 =	simm.s32 $0x1BF5;
	[smem:$0x3FB9] =	sst s0  }
0x18: {  	s0 =	sld [smem:$0x3F9C];
	_ =	swait.ge [sflag:s4], $0x0  }
0x19: {  	s7 =	sld [smem:$0x3F9D]  }
0x1a: {  	s8 =	sadd.s32 $0xFFFFE003, lr  }
0x1b: {  	s9 =	sadd.s32 $0xFFFFFEF7, lr;
	s5 =	simm.s32 $0xFFFFFFFF;
	p2 =	slt.u32 s8, $0xFFFFF086  }
0x1c: {  	p1 =	slt.u32 s9, $0xF7A;
	s5 =	simm.s32 @!p2 $0x0  }
0x1d: {  	s5 =	simm.s32 @p1 $0x1;
	p0 =	seq.s32 s7, s2  }
0x1e: {  	s7 =	smul.u32 @!p0 $0xF7A, s2;
	p2 =	seq.s32 @!p0 s5, $0x0  }
0x1f: {  	s9 =	smul.u32 $0xF7A, s1;
	s8 =	simm.s32 @!p0 $0x1BF5;
	p2 =	por !p2, p0  }
0x20: {  	[sflag:s8] =	ssyncset.s32 @!p0 $0xFFFFF086;
	s6 =	sadd.s32 @!p0 s3, s7;
	s7 =	simm.s32 @!p0 $0x108  }
0x21: {  	s3 =	sadd.s32 s3, s9;
	s6 =	sadd.s32 @!p0 $0x88, s6;
	s7 =	simm.s32 @p2 $0x1082  }
0x22: {  	[simem:s7], [sflag:s8] =	dma.local @!p0 [hbm:s6], $0xF7A  }
0x23: {  	s9 =	sor.u32 $0xD0000000, s2;
	s6 =	simm.s32 $0x108;
	_ =	swait.ge @!p0 [sflag:s8], $0x0  }
0x24: {  	s3 =	sadd.s32 $0x88, s3;
	s6 =	simm.s32 @!p1 $0x1082;
	[sflag:s4] =	ssyncset.s32 $0xFFFFF086  }
0x25: {  	[simem:s6], [sflag:s4] =	dma.local [hbm:s3], $0xF7A  }
0x26: {  	[smem:$0x3F9D] =	sst s1;
	(tag) =	ssettag s2;
	_ =	strace s9  }
0x27: {  	s1 =	sld [smem:$0x3FAD]  }
0x28: {  	s2 =	sld [smem:$0x3FAE]  }
0x29: {  	s4 =	sld [smem:$0x3FB0]  }
0x2a: {  	p0 =	seq.s32 s5, $0x0;
	s5 =	sld [smem:$0x3FB1]  }
0x2b: {  	s6 =	sld [smem:$0x3FB2]  }
0x2c: {  	s7 =	sld [smem:$0x3FB3]  }
0x2d: {  	s3 =	simm.s32 $0x108;
	s8 =	sld [smem:$0x3FB4]  }
0x2e: {  	s3 =	simm.s32 @!p0 $0x1082;
	s9 =	sld [smem:$0x3FB5]  }
0x2f: {  	lr =	sadd.s32 s0, s3;
	s0 =	sld [smem:$0x3FAC]  }
0x30: {  	s3 =	sld [smem:$0x3FAF]  }
0x31: {  	[smem:$0x3FB8] =	sst s10  }
0x32: {  	s10 =	sld [smem:$0x3FB6];
	_ =	sdelay $0x3  }
0x33: {  	p0 =	seq.s32 s10, $0x1;
	s10 =	sld [smem:$0x3FB8];
	_ =	sdelay $0x3  }
0x34: {  	[smem:$0x3FB8] =	sst s10  }
0x35: {  	s10 =	sld [smem:$0x3FB7];
	_ =	sdelay $0x3  }
0x36: {  	p1 =	seq.s32 s10, $0x1;
	s10 =	sld [smem:$0x3FB8];
	_ =	sdelay $0x3  }
0x37: {  	[smem:$0x3FB8] =	sst s10  }
0x38: {  	s10 =	sld [smem:$0x3FB9]  }
0x39: {  	_ = 	snop;
	(pc) =	sbr.ind lr, $3  }
0x3a: {  	_ = 	snop  }
0x3b: {  	_ = 	snop  }
0x3c: {  	p2 =	seq.s32 s10, $0x1;
	s10 =	sld [smem:$0x3FB8]  }
0x3d: {  	_ =	shalt  }
0x3e: {  	_ =	shalt  }
0x3f: {  	_ =	shalt  }
0x40: {  	_ =	shalt  }
0x41: {  	_ =	shalt  }
0x42: {  	_ =	shalt  }
0x43: {  	_ =	shalt  }
0x44: {  	_ =	shalt  }
0x45: {  	_ =	shalt  }
0x46: {  	_ =	shalt  }
0x47: {  	_ =	shalt  }
0x48: {  	_ =	shalt  }
0x49: {  	_ =	shalt  }
0x4a: {  	_ =	shalt  }
0x4b: {  	_ =	shalt  }
0x4c: {  	_ =	shalt  }
0x4d: {  	_ =	shalt  }
0x4e: {  	_ =	shalt  }
0x4f: {  	_ =	shalt  }
0x50: {  	_ =	shalt  }
0x51: {  	_ =	shalt  }
0x52: {  	_ =	shalt  }
0x53: {  	_ =	shalt  }
0x54: {  	_ =	shalt  }
0x55: {  	_ =	shalt  }
0x56: {  	_ =	shalt  }
0x57: {  	_ =	shalt  }
0x58: {  	_ =	shalt  }
0x59: {  	_ =	shalt  }
0x5a: {  	_ =	shalt  }
0x5b: {  	_ =	shalt  }
0x5c: {  	_ =	shalt  }
0x5d: {  	_ =	shalt  }
0x5e: {  	_ =	shalt  }
0x5f: {  	_ =	shalt  }
0x60: {  	_ =	shalt  }
0x61: {  	_ =	shalt  }
0x62: {  	_ =	shalt  }
0x63: {  	_ =	shalt  }
0x64: {  	_ =	shalt  }
0x65: {  	_ =	shalt  }
0x66: {  	_ =	shalt  }
0x67: {  	_ =	shalt  }
0x68: {  	_ =	shalt  }
0x69: {  	_ =	shalt  }
0x6a: {  	_ =	shalt  }
0x6b: {  	_ =	shalt  }
0x6c: {  	_ =	shalt  }
0x6d: {  	_ =	shalt  }
0x6e: {  	_ =	shalt  }
0x6f: {  	_ =	shalt  }
0x70: {  	_ =	shalt  }
0x71: {  	_ =	shalt  }
0x72: {  	_ =	shalt  }
0x73: {  	_ =	shalt  }
0x74: {  	_ =	shalt  }
0x75: {  	_ =	shalt  }
0x76: {  	_ =	shalt  }
0x77: {  	_ =	shalt  }
0x78: {  	_ =	shalt  }
0x79: {  	_ =	shalt  }
0x7a: {  	_ =	shalt  }
0x7b: {  	_ =	shalt  }
0x7c: {  	_ =	shalt  }
0x7d: {  	_ =	shalt  }
0x7e: {  	_ =	shalt  }
0x7f: {  	_ =	shalt  }
0x80: {  	_ =	shalt  }
0x81: {  	_ =	shalt  }
0x82: {  	_ =	shalt  }
0x83: {  	_ =	shalt  }
0x84: {  	_ =	shalt  }
0x85: {  	_ =	shalt  }
0x86: {  	_ =	shalt  }
0x87: {  	_ =	shalt  }
.Lfunc_end0:
.L_simem_size_0:
called_computation_lowered:
.L_overlay_start_0:
0x88: {  	s2 =	sld [smem:$0x3FD9]  }
0x89: {  	s3 =	sld [smem:$0x3FFE];
	_ =	sdelay $0x1  }
0x8a: {  	s1 =	srdreg.scid  }
0x8b: {  	s0 =	sand.u32 $0x1, s1  }
0x8c: {  	s17 =	sshll.u32 s0, $0xA;
	s2 =	sadd.s32 s3, s2  }
0x8d: {  	s2 =	sadd.s32 s2, s17  }
0x8e: {  	[smem:$0x3FC4] =	sst s2  }
0x8f: {  	_ = 	snop  }
0x90: {  	s2 =	sld [smem:$0x3FD0];
	(tm) =	ssettm $0x1  }
0x91: {  	s18 =	sld [smem:$0x3FFB];
	_ =	sdelay $0x3  }
0x92: {  	_ =	strace s18  }
0x93: {  	s3 =	sld [smem:$0x3FFC];
	_ =	sdelay $0x3  }
0x94: {  	_ =	strace s3  }
0x95: {  	s3 =	sld [smem:$0x3FFD];
	_ =	sdelay $0x3  }
0x96: {  	_ =	strace s3  }
0x97: {  	_ =	strace $0x8FFFFFFF  }
0x98: {  	s19 =	sld [smem:$0x3FDB];
	_ =	sdelay $0x1  }
0x99: {  	s4 =	simm.s32 $_scs_section_size  }
0x9a: {  	s5 =	simm.s32 $_size__tile_overlayer_lowered;
	s6 =	simm.s32 $_tile_overlayer_lowered  }
0x9b: {  	s22 =	simm.s32 $0x1BFF;
	s21 =	sshll.u32 s6, $0x1;
	s3 =	sadd.s32 s4, s19  }
0x9c: {  	s7 =	simm.s32 $0x0;
	s20 =	sshll.u32 s5, $0x1;
	s5 =	sadd.s32 s21, s3  }
0x9d: {  	[timem:s7], [sflag:s22] =	dma.local [hbm:s5], s20  }
0x9e: {  	_ =	swait.ge [sflag:s22], s20  }
0x9f: {  	s4 =	ssub.s32 $0x0, s20;
	[sflag:s22] =	ssyncset.done $0x0  }
0xa0: {  	[sflag:s22] =	ssyncadd.s32 s4;
	_ =	sdelay $0x1  }
0xa1: {  	s23 =	simm.s32 $0x1B8B  }
0xa2: {  	_ =	swait.ge [sflag:s23], $0x1  }
0xa3: {  	[sflag:s23] =	ssyncset.done $0x0  }
0xa4: {  	s25 =	simm.s32 $0x1B8E;
	s24 =	sld [smem:$0x3FFE];
	[sflag:s23] =	ssyncadd.s32 $0xFFFFFFFF  }
0xa5: {  	s26 =	simm.s32 $execute0_lowered;
	[smem:$0x3FD2] =	sst s25  }
0xa6: {  	s5 =	sshll.u32 s26, $0x1;
	_ =	strace $0x80000046;
	[dreg:$0x1] =	wrdreg $0xFFFFFFFF  }
0xa7: {  	s28 =	simm.s32 $_size_execute0_lowered;
	s3 =	sadd.s32 s3, s5;
	[dreg:$0x0] =	wrdreg $0x0  }
0xa8: {  	s5 =	sshll.u32 s28, $0x1;
	[dreg:$0x2] =	wrdreg s3  }
0xa9: {  	[dreg:$0x3] =	wrdreg s5  }
0xaa: {  	[dreg:$0x4] =	wrdreg $0xC0  }
0xab: {  	_ =	task [dreg:s7], $0x5FFFF  }
0xac: {  	[dreg:$0x1] =	wrdreg $0xFFFFFFFF  }
0xad: {  	[dreg:$0x0] =	wrdreg $0x60  }
0xae: {  	[dreg:$0x2] =	wrdreg s24  }
0xaf: {  	[dreg:$0x3] =	wrdreg s2  }
0xb0: {  	[dreg:$0x4] =	wrdreg $0xF0000  }
0xb1: {  	[dreg:$0x5] =	wrdreg $0x9  }
0xb2: {  	_ =	task.clear_ibuf [dreg:s7], $0x6FFFF;
	_ =	strace $0x90000046  }
0xb3: {  	s29 =	simm.s32 $0x9;
	_ =	strace $0x80000048  }
0xb4: {  	_ =	swait.ge [sflag:s29], $0x1  }
0xb5: {  	[sflag:s29] =	ssyncadd.s32 $0xFFFFFFFF  }
0xb6: {  	_ =	strace $0x90000048  }
0xb7: {  	_ =	sfence  }
0xb8: {  	s30 =	sld [smem:$0x0];
	_ =	sdelay $0x2  }
0xb9: {  	s31 =	sshll.u32 s1, $0xD;
	s1 =	sshrl.u32 s1, $0x2  }
0xba: {  	s3 =	sand.u32 $0x4000, s31;
	s1 =	sadd.s32 s1, s30  }
0xbb: {  	s0 =	sor.u32 s3, s0;
	s1 =	sshll.u32 s1, $0x11  }
0xbc: {  	s0 =	sor.u32 s1, s0  }
0xbd: {  	s0 =	sadd.s32 $0x8F2B, s0  }
0xbe: {  	[sflag:s0] =	ssyncadd.remote.s32 $0x1  }
0xbf: {  	_ =	sfence.sel $0xFFFF  }
0xc0: {  	[dreg:$0x0] =	wrdreg $0xFFFFFFFF;
	(pc) =	sbr.abs _section_cstart, $3  }
0xc1: {  	[dreg:$0x1] =	wrdreg $0xFFFFFFFF  }
0xc2: {  	_ =	task.clear_ibuf [dreg:s7], $0x2FFFF;
	_ =	strace $0x9FFFFFFF  }
0xc3: {  	(tm) =	ssettm $0x7FFFFFFF  }
tec
execute0_lowered:
.L_overlay_start_1:
0x0: {  	(tag) =	ssettag $0x1  }
0x1: {  	s0 =	rddreg [dreg:$0x0]  }
0x2: {  	s1 =	rddreg [dreg:$0x1]  }
0x3: {  	s2 =	rddreg [dreg:$0x2];
	s3 =	simm.s32 $0x0  }
0x4: {  	s5 =	stileid.u32;
	s4 =	srdreg.scid;
	s20 =	simm.s32 $0x5  }
0x5: {  	s28 =	simm.s32 $0xC800;
	s29 =	simm.s32 $0x1;
	s30 =	simm.s32 $0x2  }
0x6: {  	s31 =	simm.s32 $0x3;
	[smem:$0x7FF] =	sst s3;
	s6 =	smul.u32 $0x500, s5  }
0x7: {  	s7 =	sand.u32 $0x1, s4;
	s4 =	sadd.s32 $0x19E00, s0;
	s13 =	smul.u32 $0x19000, s5  }
0x8: {  	s5 =	sadd.s32 $0x1600, s0;
	_ =	strace $0x80000047;
	s8 =	ssub.s32 $0x2, s7  }
0x9: {  	p0 =	seq.s32 s7, $0x0;
	s6 =	sadd.s32 s6, s0;
	s9 =	sshrl.u32 s8, $0x1  }
0xa: {  	s0 =	sadd.s32 $0x3C600, s0;
	s15 =	sadd.s32 $0x5000, s13;
	s22 =	sshrl.u32 s13, $0x1  }
0xb: {  	s24 =	sadd.s32 $0xA000, s13;
	s16 =	sadd.s32 $0xF000, s13;
	s17 =	sadd.s32 $0x14000, s13  }
0xc: {  	s18 =	sshrl.u32 s13, $0x4;
	s13 =	smov.u32 s5;
	s14 =	ssub.s32 s8, s9  }
0xd: {  	s21 =	sadd.s32 $0x37600, s6;
	s23 =	sshrl.u32 s15, $0x1;
	s6 =	sadd.s32 $0x32600, s6  }
0xe: {  	s8 =	sadd.s32 s22, s2;
	s10 =	sshrl.u32 s24, $0x1;
	s11 =	sshrl.u32 s16, $0x1  }
0xf: {  	s12 =	sshrl.u32 s17, $0x1;
	s15 =	sshrl.u32 s15, $0x4;
	s16 =	sshrl.u32 s16, $0x4  }
0x10: {  	s19 =	sshrl.u32 s17, $0x4;
	s13 =	smov.u32 @p0 s4;
	s0 =	smov.u32 @p0 s1  }
0x11: {  	s22 =	simm.s32 $0x5000;
	p0 =	sne.s32 s7, $0x0;
	[dreg:$0x4] =	wrdreg s21  }
0x12: {  	[dreg:$0x5] =	wrdreg s6;
	s9 =	sadd.s32 s23, s2;
	s10 =	sadd.s32 s10, s2  }
0x13: {  	s11 =	sadd.s32 s11, s2;
	s12 =	sadd.s32 s12, s2;
	s6 =	sshrl.u32 s24, $0x4  }
0x14: {  	s14 =	smax.u32 s14, $0x1;
	s1 =	sadd.s32 s0, s18;
	s25 =	sadd.s32 s0, s15  }
0x15: {  	s18 =	sadd.s32 s0, s16;
	s19 =	sadd.s32 s0, s19;
	[dreg:$0x6] =	wrdreg s14  }
0x16: {  	s23 =	simm.s32 $0x80;
	s24 =	simm.s32 $0x7800;
	[dreg:$0x7] =	wrdreg s1  }
0x17: {  	[dreg:$0x8] =	wrdreg s25;
	s26 =	sadd.s32 s0, s6;
	s0 =	simm.s32 $0x4  }
0x18: {  	v0 =	vimm.bf16 $0.0e+00;
	s25 =	simm.s32 $0x0;
	[dreg:$0x9] =	wrdreg s26;
	s26 =	simm.s32 $0xA000  }
.LBB2_1:
0x19: {  	s1 =	rddreg [dreg:$0x4]  }
0x1a: {  	[tilespmem:s3], [sflag:$0x5] =	stream.linear.gather [hbm4b:s1+s3], $0x2800, $0x38;
	[tilespmem:$0x1B800] =	vst v63  }
0x1b: {  	_ =	swait.ge [sflag:s20], $0x2800  }
0x1c: {  	[sflag:s20] =	ssyncset.done $0x0  }
0x1d: {  	s6 =	simm.s32 $0x2800;
	s21 =	rddreg [dreg:$0x5];
	[sflag:s20] =	ssyncadd.s32 $0xFFFFD800  }
0x1e: {  	[tilespmem:s6], [sflag:$0x5] =	stream.linear.gather [hbm4b:s21+s3], $0x2800, $0x38;
	[tilespmem:$0x1B800] =	vst v63  }
0x1f: {  	_ =	swait.ge [sflag:s20], $0x2800  }
0x20: {  	[sflag:s20] =	ssyncset.done $0x0  }
0x21: {  	s1 =	simm.s32 $0x0;
	s6 =	simm.s32 $0x280;
	[sflag:s20] =	ssyncadd.s32 $0xFFFFD800  }
.LBB2_2:
0x22: {  	p1 =	sne.s32 s6, $0x9D80;
	[tilespmem:s1+$0x5098] =	vst.msk $0xff, v0  }
0x23: {  	[tilespmem:s1+$0x5000] =	vst.msk $0xff, v0  }
0x24: {  	[tilespmem:s1+$0x5050] =	vst.msk $0xff, v0  }
0x25: {  	[tilespmem:s1+$0x5008] =	vst.msk $0xff, v0  }
0x26: {  	[tilespmem:s1+$0x5058] =	vst.msk $0xff, v0  }
0x27: {  	[tilespmem:s1+$0x5010] =	vst.msk $0xff, v0  }
0x28: {  	[tilespmem:s1+$0x5060] =	vst.msk $0xff, v0  }
0x29: {  	[tilespmem:s1+$0x5018] =	vst.msk $0xff, v0  }
0x2a: {  	[tilespmem:s1+$0x5068] =	vst.msk $0xff, v0  }
0x2b: {  	[tilespmem:s1+$0x5020] =	vst.msk $0xff, v0  }
0x2c: {  	[tilespmem:s1+$0x5070] =	vst.msk $0xff, v0  }
0x2d: {  	[tilespmem:s1+$0x5028] =	vst.msk $0xff, v0  }
0x2e: {  	[tilespmem:s1+$0x5078] =	vst.msk $0xff, v0  }
0x2f: {  	[tilespmem:s1+$0x5030] =	vst.msk $0xff, v0  }
0x30: {  	[tilespmem:s1+$0x5080] =	vst.msk $0xff, v0  }
.Ltmp0:
0x31: {  	[tilespmem:s1+$0x5038] =	vst.msk $0xff, v0;
	(pc) =	sbr.rel @p1 .LBB2_2-.Ltmp0, $4  }
0x32: {  	[tilespmem:s1+$0x5088] =	vst.msk $0xff, v0  }
0x33: {  	[tilespmem:s1+$0x5040] =	vst.msk $0xff, v0  }
0x34: {  	[tilespmem:s1+$0x5090] =	vst.msk $0xff, v0  }
0x35: {  	[tilespmem:s1+$0x5048] =	vst.msk $0xff, v0;
	s1 =	sshra.s32 s6, $0x2;
	s6 =	sadd.s32 $0x280, s6  }
0x36: {  	[tilespmem:s1+$0x5098] =	vst.msk $0xff, v0  }
0x37: {  	[tilespmem:s1+$0x5000] =	vst.msk $0xff, v0  }
0x38: {  	[tilespmem:s1+$0x5050] =	vst.msk $0xff, v0  }
0x39: {  	[tilespmem:s1+$0x5008] =	vst.msk $0xff, v0  }
0x3a: {  	[tilespmem:s1+$0x5058] =	vst.msk $0xff, v0  }
0x3b: {  	[tilespmem:s1+$0x5010] =	vst.msk $0xff, v0  }
0x3c: {  	[tilespmem:s1+$0x5060] =	vst.msk $0xff, v0  }
0x3d: {  	[tilespmem:s1+$0x5018] =	vst.msk $0xff, v0  }
0x3e: {  	[tilespmem:s1+$0x5068] =	vst.msk $0xff, v0  }
0x3f: {  	[tilespmem:s1+$0x5020] =	vst.msk $0xff, v0  }
0x40: {  	[tilespmem:s1+$0x5070] =	vst.msk $0xff, v0  }
0x41: {  	[tilespmem:s1+$0x5028] =	vst.msk $0xff, v0  }
0x42: {  	[tilespmem:s1+$0x5078] =	vst.msk $0xff, v0  }
0x43: {  	[tilespmem:s1+$0x5030] =	vst.msk $0xff, v0  }
0x44: {  	[tilespmem:s1+$0x5080] =	vst.msk $0xff, v0  }
0x45: {  	[tilespmem:s1+$0x5038] =	vst.msk $0xff, v0  }
0x46: {  	[tilespmem:s1+$0x5088] =	vst.msk $0xff, v0  }
0x47: {  	[tilespmem:s1+$0x5040] =	vst.msk $0xff, v0  }
0x48: {  	[tilespmem:s1+$0x5090] =	vst.msk $0xff, v0  }
0x49: {  	[tilespmem:s1+$0x5048] =	vst.msk $0xff, v0  }
0x4a: {  	[spmem:s8] =	stream.linear.scatter [tilespmem:s22], [sflag:$0x5], $0x2800, $0x38;
	[tilespmem:$0x1B800] =	vst v63  }
0x4b: {  	_ =	swait.ge [sflag:s20], $0x2800  }
0x4c: {  	[sflag:s20] =	ssyncset.done $0x0  }
0x4d: {  	[sflag:s20] =	ssyncadd.s32 $0xFFFFD800  }
0x4e: {  	[spmem:s9] =	stream.linear.scatter [tilespmem:s22], [sflag:$0x5], $0x2800, $0x38;
	[tilespmem:$0x1B800] =	vst v63  }
0x4f: {  	_ =	swait.ge [sflag:s20], $0x2800  }
0x50: {  	[sflag:s20] =	ssyncset.done $0x0  }
0x51: {  	[sflag:s20] =	ssyncadd.s32 $0xFFFFD800  }
0x52: {  	[spmem:s10] =	stream.linear.scatter [tilespmem:s22], [sflag:$0x5], $0x2800, $0x38;
	[tilespmem:$0x1B800] =	vst v63  }
0x53: {  	_ =	swait.ge [sflag:s20], $0x2800  }
0x54: {  	[sflag:s20] =	ssyncset.done $0x0  }
0x55: {  	[sflag:s20] =	ssyncadd.s32 $0xFFFFD800  }
0x56: {  	[spmem:s11] =	stream.linear.scatter [tilespmem:s22], [sflag:$0x5], $0x2800, $0x38;
	[tilespmem:$0x1B800] =	vst v63  }
0x57: {  	_ =	swait.ge [sflag:s20], $0x2800  }
0x58: {  	[sflag:s20] =	ssyncset.done $0x0  }
0x59: {  	[sflag:s20] =	ssyncadd.s32 $0xFFFFD800  }
0x5a: {  	[spmem:s12] =	stream.linear.scatter [tilespmem:s22], [sflag:$0x5], $0x2800, $0x38;
	[tilespmem:$0x1B800] =	vst v63  }
0x5b: {  	_ =	swait.ge [sflag:s20], $0x2800  }
0x5c: {  	[sflag:s20] =	ssyncset.done $0x0  }
0x5d: {  	[sflag:s20] =	ssyncadd.s32 $0xFFFFD800  }
0x5e: {  	s16 =	simm.s32 $0x0;
	[bflag:$0x0] =	sbarrier.arrive $0xFFFF  }
0x5f: {  	[tilespmem:s22], [sflag:$0x1] =	stream.indirect.gather [hbm4b:s13+s23], $0x50, s16, s23, $0xb8;
	[tilespmem:$0x1B800] =	vst v63  }
0x60: {  	_ = 	snop  }
0x61: {  	[tilespmem:s24], [sflag:$0x2] =	stream.indirect.gather [hbm4b:s13+s23], $0x50, s23, s23, $0xb8;
	[tilespmem:$0x1B800] =	vst v63  }
0x62: {  	s17 =	simm.s32 $0x100  }
0x63: {  	[tilespmem:s26], [sflag:$0x3] =	stream.indirect.gather [hbm4b:s13+s23], $0x50, s17, s23, $0xb8;
	[tilespmem:$0x1B800] =	vst v63  }
0x64: {  	s21 =	simm.s32 $0x180  }
0x65: {  	[tilespmem:s28], [sflag:$0x4] =	stream.indirect.gather [hbm4b:s13+s23], $0x50, s21, s23, $0xb8;
	[tilespmem:$0x1B800] =	vst v63  }
0x66: {  	_ =	swait.ge [sflag:s29], $0x2800  }
0x67: {  	[sflag:s29] =	ssyncset.done $0x0  }
0x68: {  	s6 =	simm.s32 $0x2800;
	[sflag:s29] =	ssyncadd.s32 $0xFFFFD800  }
0x69: {  	[spmem:s2] =	stream.indirect.scatter.add.bf16 [tilespmem:s22], [sflag:$0x5], $0x50, s6, s23, $0xb8;
	[tilespmem:$0x1B800] =	vst v63  }
0x6a: {  	_ =	swait.ge [sflag:s20], $0x2800  }
0x6b: {  	[sflag:s20] =	ssyncset.done $0x0  }
0x6c: {  	s7 =	simm.s32 $0x200;
	[sflag:s20] =	ssyncadd.s32 $0xFFFFD800  }
0x6d: {  	[tilespmem:s22], [sflag:$0x1] =	stream.indirect.gather [hbm4b:s13+s23], $0x50, s7, s23, $0xb8;
	[tilespmem:$0x1B800] =	vst v63  }
0x6e: {  	_ =	swait.ge [sflag:s30], $0x2800  }
0x6f: {  	[sflag:s30] =	ssyncset.done $0x0  }
0x70: {  	s14 =	simm.s32 $0x2880;
	[sflag:s30] =	ssyncadd.s32 $0xFFFFD800  }
0x71: {  	[spmem:s2] =	stream.indirect.scatter.add.bf16 [tilespmem:s24], [sflag:$0x5], $0x50, s14, s23, $0xb8;
	[tilespmem:$0x1B800] =	vst v63  }
0x72: {  	_ =	swait.ge [sflag:s20], $0x2800  }
0x73: {  	s1 =	simm.s32 $0x280;
	[sflag:s20] =	ssyncset.done $0x0  }
0x74: {  	s21 =	simm.s32 @p0 $0x7800;
	s6 =	simm.s32 @p0 $0x80;
	[sflag:s20] =	ssyncadd.s32 $0xFFFFD800  }
0x75: {  	[tilespmem:s21], [sflag:$0x2] =	stream.indirect.gather @p0 [hbm4b:s5+s6], $0x50, s1, s6, $0xb8;
	[tilespmem:$0x1B800] =	vst v63  }
0x76: {  	s7 =	simm.s32 @!p0 $0x80;
	s14 =	simm.s32 @!p0 $0x7800  }
0x77: {  	[tilespmem:s14], [sflag:$0x2] =	stream.indirect.gather @!p0 [hbm4b:s4+s7], $0x50, s1, s7, $0xb8;
	[tilespmem:$0x1B800] =	vst v63  }
0x78: {  	_ =	swait.ge [sflag:s31], $0x2800  }
0x79: {  	[sflag:s31] =	ssyncset.done $0x0  }
0x7a: {  	s15 =	simm.s32 $0x2900;
	[sflag:s31] =	ssyncadd.s32 $0xFFFFD800  }
0x7b: {  	[spmem:s2] =	stream.indirect.scatter.add.bf16 [tilespmem:s26], [sflag:$0x5], $0x50, s15, s23, $0xb8;
	[tilespmem:$0x1B800] =	vst v63  }
0x7c: {  	_ =	swait.ge [sflag:s20], $0x2800  }
0x7d: {  	[sflag:s20] =	ssyncset.done $0x0  }
0x7e: {  	s16 =	simm.s32 $0x300;
	[sflag:s20] =	ssyncadd.s32 $0xFFFFD800  }
0x7f: {  	[tilespmem:s26], [sflag:$0x3] =	stream.indirect.gather [hbm4b:s13+s23], $0x50, s16, s23, $0xb8;
	[tilespmem:$0x1B800] =	vst v63  }
0x80: {  	_ =	swait.ge [sflag:s0], $0x2800  }
0x81: {  	[sflag:s0] =	ssyncset.done $0x0  }
0x82: {  	s17 =	simm.s32 $0x2980;
	[sflag:s0] =	ssyncadd.s32 $0xFFFFD800  }
0x83: {  	[spmem:s2] =	stream.indirect.scatter.add.bf16 [tilespmem:s28], [sflag:$0x5], $0x50, s17, s23, $0xb8;
	[tilespmem:$0x1B800] =	vst v63  }
0x84: {  	_ =	swait.ge [sflag:s20], $0x2800  }
0x85: {  	s1 =	simm.s32 $0x200;
	s15 =	simm.s32 $0x1000;
	[sflag:s20] =	ssyncset.done $0x0  }
.LBB2_4:
0x86: {  	s17 =	sadd.s32 $0x180, s1  }
0x87: {  	[sflag:s20] =	ssyncadd.s32 $0xFFFFD800;
	s16 =	smov.u32 s15;
	s15 =	sadd.s32 $0x800, s15  }
0x88: {  	[tilespmem:s28], [sflag:$0x4] =	stream.indirect.gather [hbm4b:s13+s23], $0x50, s17, s23, $0xb8;
	[tilespmem:$0x1B800] =	vst v63  }
0x89: {  	p1 =	sne.s32 s15, $0x9800;
	_ =	swait.ge [sflag:s29], $0x2800  }
0x8a: {  	[sflag:s29] =	ssyncset.done $0x0  }
0x8b: {  	s17 =	sadd.s32 $0x2800, s1;
	[sflag:s29] =	ssyncadd.s32 $0xFFFFD800  }
0x8c: {  	[spmem:s2] =	stream.indirect.scatter.add.bf16 [tilespmem:s22], [sflag:$0x5], $0x50, s17, s23, $0xb8;
	[tilespmem:$0x1B800] =	vst v63  }
0x8d: {  	_ =	swait.ge [sflag:s20], $0x2800  }
0x8e: {  	[sflag:s20] =	ssyncset.done $0x0  }
0x8f: {  	s17 =	sadd.s32 $0x200, s1;
	[sflag:s20] =	ssyncadd.s32 $0xFFFFD800  }
0x90: {  	[tilespmem:s22], [sflag:$0x1] =	stream.indirect.gather [hbm4b:s13+s23], $0x50, s17, s23, $0xb8;
	[tilespmem:$0x1B800] =	vst v63  }
0x91: {  	_ =	swait.ge [sflag:s30], $0x2800  }
0x92: {  	[sflag:s30] =	ssyncset.done $0x0  }
0x93: {  	s17 =	sadd.s32 $0x2880, s1;
	[sflag:s30] =	ssyncadd.s32 $0xFFFFD800  }
0x94: {  	[spmem:s2] =	stream.indirect.scatter.add.bf16 [tilespmem:s24], [sflag:$0x5], $0x50, s17, s23, $0xb8;
	[tilespmem:$0x1B800] =	vst v63  }
0x95: {  	_ =	swait.ge [sflag:s20], $0x2800  }
0x96: {  	[sflag:s20] =	ssyncset.done $0x0  }
0x97: {  	s17 =	sadd.s32 $0x280, s1;
	[sflag:s20] =	ssyncadd.s32 $0xFFFFD800  }
0x98: {  	[tilespmem:s21], [sflag:$0x2] =	stream.indirect.gather @p0 [hbm4b:s5+s6], $0x50, s17, s6, $0xb8;
	[tilespmem:$0x1B800] =	vst v63  }
0x99: {  	_ = 	snop  }
0x9a: {  	[tilespmem:s14], [sflag:$0x2] =	stream.indirect.gather @!p0 [hbm4b:s4+s7], $0x50, s17, s7, $0xb8;
	[tilespmem:$0x1B800] =	vst v63  }
0x9b: {  	_ =	swait.ge [sflag:s31], $0x2800  }
0x9c: {  	[sflag:s31] =	ssyncset.done $0x0  }
0x9d: {  	s17 =	sadd.s32 $0x2900, s1;
	[sflag:s31] =	ssyncadd.s32 $0xFFFFD800  }
0x9e: {  	[spmem:s2] =	stream.indirect.scatter.add.bf16 [tilespmem:s26], [sflag:$0x5], $0x50, s17, s23, $0xb8;
	[tilespmem:$0x1B800] =	vst v63  }
0x9f: {  	_ =	swait.ge [sflag:s20], $0x2800  }
0xa0: {  	[sflag:s20] =	ssyncset.done $0x0  }
0xa1: {  	s17 =	sadd.s32 $0x300, s1;
	[sflag:s20] =	ssyncadd.s32 $0xFFFFD800  }
0xa2: {  	[tilespmem:s26], [sflag:$0x3] =	stream.indirect.gather [hbm4b:s13+s23], $0x50, s17, s23, $0xb8;
	[tilespmem:$0x1B800] =	vst v63  }
0xa3: {  	_ =	swait.ge [sflag:s0], $0x2800  }
.Ltmp1:
0xa4: {  	[sflag:s0] =	ssyncset.done $0x0;
	(pc) =	sbr.rel @p1 .LBB2_4-.Ltmp1, $4  }
0xa5: {  	s1 =	sadd.s32 $0x2980, s1;
	[sflag:s0] =	ssyncadd.s32 $0xFFFFD800  }
0xa6: {  	[spmem:s2] =	stream.indirect.scatter.add.bf16 [tilespmem:s28], [sflag:$0x5], $0x50, s1, s23, $0xb8;
	[tilespmem:$0x1B800] =	vst v63  }
0xa7: {  	_ =	swait.ge [sflag:s20], $0x2800  }
0xa8: {  	s1 =	sshra.s32 s16, $0x2;
	[sflag:s20] =	ssyncset.done $0x0  }
0xa9: {  	s6 =	sadd.s32 $0x180, s1;
	[sflag:s20] =	ssyncadd.s32 $0xFFFFD800  }
0xaa: {  	[tilespmem:s28], [sflag:$0x4] =	stream.indirect.gather [hbm4b:s13+s23], $0x50, s6, s23, $0xb8;
	[tilespmem:$0x1B800] =	vst v63  }
0xab: {  	_ =	swait.ge [sflag:s29], $0x2800  }
0xac: {  	[sflag:s29] =	ssyncset.done $0x0  }
0xad: {  	s17 =	sadd.s32 $0x2800, s1;
	[sflag:s29] =	ssyncadd.s32 $0xFFFFD800  }
0xae: {  	[spmem:s2] =	stream.indirect.scatter.add.bf16 [tilespmem:s22], [sflag:$0x5], $0x50, s17, s23, $0xb8;
	[tilespmem:$0x1B800] =	vst v63  }
0xaf: {  	_ =	swait.ge [sflag:s20], $0x2800  }
0xb0: {  	[sflag:s20] =	ssyncset.done $0x0  }
0xb1: {  	s21 =	sadd.s32 $0x200, s1;
	[sflag:s20] =	ssyncadd.s32 $0xFFFFD800  }
0xb2: {  	[tilespmem:s22], [sflag:$0x1] =	stream.indirect.gather [hbm4b:s13+s23], $0x50, s21, s23, $0xb8;
	[tilespmem:$0x1B800] =	vst v63  }
0xb3: {  	_ =	swait.ge [sflag:s30], $0x2800  }
0xb4: {  	[sflag:s30] =	ssyncset.done $0x0  }
0xb5: {  	s7 =	sadd.s32 $0x2880, s1;
	[sflag:s30] =	ssyncadd.s32 $0xFFFFD800  }
0xb6: {  	[spmem:s2] =	stream.indirect.scatter.add.bf16 [tilespmem:s24], [sflag:$0x5], $0x50, s7, s23, $0xb8;
	[tilespmem:$0x1B800] =	vst v63  }
0xb7: {  	_ =	swait.ge [sflag:s20], $0x2800  }
0xb8: {  	s14 =	simm.s32 @p0 $0x80;
	[sflag:s20] =	ssyncset.done $0x0  }
0xb9: {  	s6 =	simm.s32 @p0 $0x7800;
	s7 =	sadd.s32 $0x280, s1;
	[sflag:s20] =	ssyncadd.s32 $0xFFFFD800  }
0xba: {  	[tilespmem:s6], [sflag:$0x2] =	stream.indirect.gather @p0 [hbm4b:s5+s14], $0x50, s7, s14, $0xb8;
	[tilespmem:$0x1B800] =	vst v63  }
0xbb: {  	s6 =	simm.s32 @!p0 $0x80;
	s14 =	simm.s32 @!p0 $0x7800  }
0xbc: {  	[tilespmem:s14], [sflag:$0x2] =	stream.indirect.gather @!p0 [hbm4b:s4+s6], $0x50, s7, s6, $0xb8;
	[tilespmem:$0x1B800] =	vst v63  }
0xbd: {  	_ =	swait.ge [sflag:s31], $0x2800  }
0xbe: {  	[sflag:s31] =	ssyncset.done $0x0  }
0xbf: {  	s14 =	sadd.s32 $0x2900, s1;
	[sflag:s31] =	ssyncadd.s32 $0xFFFFD800  }
0xc0: {  	[spmem:s2] =	stream.indirect.scatter.add.bf16 [tilespmem:s26], [sflag:$0x5], $0x50, s14, s23, $0xb8;
	[tilespmem:$0x1B800] =	vst v63  }
0xc1: {  	_ =	swait.ge [sflag:s20], $0x2800  }
0xc2: {  	[sflag:s20] =	ssyncset.done $0x0  }
0xc3: {  	s15 =	sadd.s32 $0x300, s1;
	[sflag:s20] =	ssyncadd.s32 $0xFFFFD800  }
0xc4: {  	[tilespmem:s26], [sflag:$0x3] =	stream.indirect.gather [hbm4b:s13+s23], $0x50, s15, s23, $0xb8;
	[tilespmem:$0x1B800] =	vst v63  }
0xc5: {  	_ =	swait.ge [sflag:s0], $0x2800  }
0xc6: {  	[sflag:s0] =	ssyncset.done $0x0  }
0xc7: {  	s16 =	sadd.s32 $0x2980, s1;
	[sflag:s0] =	ssyncadd.s32 $0xFFFFD800  }
0xc8: {  	[spmem:s2] =	stream.indirect.scatter.add.bf16 [tilespmem:s28], [sflag:$0x5], $0x50, s16, s23, $0xb8;
	[tilespmem:$0x1B800] =	vst v63  }
0xc9: {  	_ =	swait.ge [sflag:s20], $0x2800  }
0xca: {  	[sflag:s20] =	ssyncset.done $0x0  }
0xcb: {  	s17 =	simm.s32 $0x2780;
	[sflag:s20] =	ssyncadd.s32 $0xFFFFD800  }
0xcc: {  	[tilespmem:s28], [sflag:$0x4] =	stream.indirect.gather [hbm4b:s13+s23], $0x50, s17, s23, $0xb8;
	[tilespmem:$0x1B800] =	vst v63  }
0xcd: {  	_ =	swait.ge [sflag:s29], $0x2800  }
0xce: {  	[sflag:s29] =	ssyncset.done $0x0  }
0xcf: {  	s21 =	simm.s32 $0x4E00;
	[sflag:s29] =	ssyncadd.s32 $0xFFFFD800  }
0xd0: {  	[spmem:s2] =	stream.indirect.scatter.add.bf16 [tilespmem:s22], [sflag:$0x5], $0x50, s21, s23, $0xb8;
	[tilespmem:$0x1B800] =	vst v63  }
0xd1: {  	_ =	swait.ge [sflag:s20], $0x2800  }
0xd2: {  	[sflag:s20] =	ssyncset.done $0x0  }
0xd3: {  	[sflag:s20] =	ssyncadd.s32 $0xFFFFD800  }
0xd4: {  	_ =	swait.ge [sflag:s30], $0x2800  }
0xd5: {  	[sflag:s30] =	ssyncset.done $0x0  }
0xd6: {  	s6 =	simm.s32 $0x4E80;
	[sflag:s30] =	ssyncadd.s32 $0xFFFFD800  }
0xd7: {  	[spmem:s2] =	stream.indirect.scatter.add.bf16 [tilespmem:s24], [sflag:$0x5], $0x50, s6, s23, $0xb8;
	[tilespmem:$0x1B800] =	vst v63  }
0xd8: {  	_ =	swait.ge [sflag:s20], $0x2800  }
0xd9: {  	[sflag:s20] =	ssyncset.done $0x0  }
0xda: {  	[sflag:s20] =	ssyncadd.s32 $0xFFFFD800  }
0xdb: {  	_ =	swait.ge [sflag:s31], $0x2800  }
0xdc: {  	[sflag:s31] =	ssyncset.done $0x0  }
0xdd: {  	s7 =	simm.s32 $0x4F00;
	[sflag:s31] =	ssyncadd.s32 $0xFFFFD800  }
0xde: {  	[spmem:s2] =	stream.indirect.scatter.add.bf16 [tilespmem:s26], [sflag:$0x5], $0x50, s7, s23, $0xb8;
	[tilespmem:$0x1B800] =	vst v63  }
0xdf: {  	_ =	swait.ge [sflag:s20], $0x2800  }
0xe0: {  	[sflag:s20] =	ssyncset.done $0x0  }
0xe1: {  	[sflag:s20] =	ssyncadd.s32 $0xFFFFD800  }
0xe2: {  	_ =	swait.ge [sflag:s0], $0x2800  }
0xe3: {  	[sflag:s0] =	ssyncset.done $0x0  }
0xe4: {  	s14 =	simm.s32 $0x4F80;
	[sflag:s0] =	ssyncadd.s32 $0xFFFFD800  }
0xe5: {  	[spmem:s2] =	stream.indirect.scatter.add.bf16 [tilespmem:s28], [sflag:$0x5], $0x50, s14, s23, $0xb8;
	[tilespmem:$0x1B800] =	vst v63  }
0xe6: {  	_ =	swait.ge [sflag:s20], $0x2800  }
0xe7: {  	[sflag:s20] =	ssyncset.done $0x0  }
0xe8: {  	[sflag:s20] =	ssyncadd.s32 $0xFFFFD800  }
0xe9: {  	[bflag:$0x0] =	sbarrier.arrive $0xFFFF  }
0xea: {  	[tilespmem:s22], [sflag:$0x5] =	stream.linear.gather [spmem:s8], $0x2800, $0x38;
	[tilespmem:$0x1B800] =	vst v63  }
0xeb: {  	_ =	swait.ge [sflag:s20], $0x2800  }
0xec: {  	[sflag:s20] =	ssyncset.done $0x0  }
0xed: {  	s15 =	rddreg [dreg:$0x7];
	[sflag:s20] =	ssyncadd.s32 $0xFFFFD800  }
0xee: {  	[hbm4b:s15+s3] =	stream.linear.scatter [tilespmem:s22], [sflag:$0x5], $0x2800, $0x38;
	[tilespmem:$0x1B800] =	vst v63  }
0xef: {  	_ =	swait.ge [sflag:s20], $0x2800  }
0xf0: {  	[sflag:s20] =	ssyncset.done $0x0  }
0xf1: {  	[sflag:s20] =	ssyncadd.s32 $0xFFFFD800  }
0xf2: {  	[tilespmem:s22], [sflag:$0x5] =	stream.linear.gather [spmem:s9], $0x2800, $0x38;
	[tilespmem:$0x1B800] =	vst v63  }
0xf3: {  	_ =	swait.ge [sflag:s20], $0x2800  }
0xf4: {  	[sflag:s20] =	ssyncset.done $0x0  }
0xf5: {  	s16 =	rddreg [dreg:$0x8];
	[sflag:s20] =	ssyncadd.s32 $0xFFFFD800  }
0xf6: {  	[hbm4b:s16+s3] =	stream.linear.scatter [tilespmem:s22], [sflag:$0x5], $0x2800, $0x38;
	[tilespmem:$0x1B800] =	vst v63  }
0xf7: {  	_ =	swait.ge [sflag:s20], $0x2800  }
0xf8: {  	[sflag:s20] =	ssyncset.done $0x0  }
0xf9: {  	[sflag:s20] =	ssyncadd.s32 $0xFFFFD800  }
0xfa: {  	[tilespmem:s22], [sflag:$0x5] =	stream.linear.gather [spmem:s10], $0x2800, $0x38;
	[tilespmem:$0x1B800] =	vst v63  }
0xfb: {  	_ =	swait.ge [sflag:s20], $0x2800  }
0xfc: {  	[sflag:s20] =	ssyncset.done $0x0  }
0xfd: {  	s17 =	rddreg [dreg:$0x9];
	[sflag:s20] =	ssyncadd.s32 $0xFFFFD800  }
0xfe: {  	[hbm4b:s17+s3] =	stream.linear.scatter [tilespmem:s22], [sflag:$0x5], $0x2800, $0x38;
	[tilespmem:$0x1B800] =	vst v63  }
0xff: {  	_ =	swait.ge [sflag:s20], $0x2800  }
0x100: {  	[sflag:s20] =	ssyncset.done $0x0  }
0x101: {  	[sflag:s20] =	ssyncadd.s32 $0xFFFFD800  }
0x102: {  	[tilespmem:s22], [sflag:$0x5] =	stream.linear.gather [spmem:s11], $0x2800, $0x38;
	[tilespmem:$0x1B800] =	vst v63  }
0x103: {  	_ =	swait.ge [sflag:s20], $0x2800  }
0x104: {  	[sflag:s20] =	ssyncset.done $0x0  }
0x105: {  	[sflag:s20] =	ssyncadd.s32 $0xFFFFD800  }
0x106: {  	[hbm4b:s18+s3] =	stream.linear.scatter [tilespmem:s22], [sflag:$0x5], $0x2800, $0x38;
	[tilespmem:$0x1B800] =	vst v63  }
0x107: {  	_ =	swait.ge [sflag:s20], $0x2800  }
0x108: {  	[sflag:s20] =	ssyncset.done $0x0  }
0x109: {  	[sflag:s20] =	ssyncadd.s32 $0xFFFFD800  }
0x10a: {  	[tilespmem:s22], [sflag:$0x5] =	stream.linear.gather [spmem:s12], $0x2800, $0x38;
	[tilespmem:$0x1B800] =	vst v63  }
0x10b: {  	_ =	swait.ge [sflag:s20], $0x2800  }
0x10c: {  	[sflag:s20] =	ssyncset.done $0x0  }
0x10d: {  	[sflag:s20] =	ssyncadd.s32 $0xFFFFD800  }
0x10e: {  	[hbm4b:s19+s3] =	stream.linear.scatter [tilespmem:s22], [sflag:$0x5], $0x2800, $0x38;
	[tilespmem:$0x1B800] =	vst v63  }
0x10f: {  	_ =	swait.ge [sflag:s20], $0x2800  }
0x110: {  	s25 =	sadd.s32 $0x1, s25;
	s21 =	rddreg [dreg:$0x6]  }
0x111: {  	p1 =	sne.s32 s25, s21  }
.Ltmp2:
0x112: {  	_ = 	snop;
	(pc) =	sbr.rel @p1 .LBB2_1-.Ltmp2, $3  }
0x113: {  	_ =	sdelay $0x1  }
0x114: {  	[sflag:s20] =	ssyncset.done $0x0  }
0x115: {  	[sflag:s20] =	ssyncadd.s32 $0xFFFFD800  }
0x116: {  	_ =	sfence.sel $0x180000  }
0x117: {  	[bflag:$0x0] =	sbarrier.arrive $0xFFFF  }
0x118: {  	_ =	strace $0x90000047  }
0x119: {  	s0 =	stileid.u32;
	[bflag:$0x2] =	sbarrier.arrive $0xFFFF  }
0x11a: {  	p0 =	sne.s32 s0, $0x0;
	s0 =	rddreg [dreg:$0x3]  }
0x11b: {  	s0 =	sadd.s32 @!p0 $0x100000, s0  }
0x11c: {  	[sflag:s0] =	ssyncadd.tile.s32 @!p0 $0x1;
	_ =	shalt  }
.Lfunc_end2:
_tile_overlayer_lowered:
.L_overlay_start_2:
0x11d: {  	(tag) =	ssettag $0x2  }
0x11e: {  	s0 =	rddreg [dreg:$0x0];
	s2 =	stileid.u32  }
0x11f: {  	s1 =	rddreg [dreg:$0x1];
	p0 =	sne.s32 s2, $0x0  }
0x120: {  	s3 =	rddreg [dreg:$0x2];
	[bflag:$0x3] =	sbarrier.arrive $0xFFFF;
	s2 =	simm.s32 @!p0 $0x1C05  }
0x121: {  	[timem:s3], [sflag:s2] =	dma.local @!p0 [hbm:s0], s1  }
0x122: {  	s0 =	simm.s32 @!p0 $0x5  }
0x123: {  	_ =	swait.ge @!p0 [sflag:s0], s1  }
0x124: {  	s1 =	ssub.s32 @!p0 $0x0, s1;
	[sflag:s0] =	ssyncset.done @!p0 $0x0  }
0x125: {  	[sflag:s0] =	ssyncadd.s32 @!p0 s1  }
0x126: {  	[bflag:$0x3] =	sbarrier.arrive $0xFFFF  }
0x127: {  	_ =	shalt  }

</sc_bundles>
